<compile_context>
chip_gen: v7x
topology: tpu7x:2x2x1
jax: 0.10.2.dev20260603
libtpu: 0.0.44.dev20260713+nightly
codegen_flags: <defaults>
</compile_context>

<pallas_src>
import functools

import jax
import jax.numpy as jnp
from jax import lax
from jax.experimental import pallas as pl
from jax.experimental.pallas import tpu as pltpu
from jax.experimental.pallas import tpu_sc as plsc

NC = 2
NS = 16
NW = NC * NS
CHUNK = 128
WPAD = 48


def _sc_segment_sum(h_pad, src3, dst3, zeros_slice, n_pad):
    n_chunks = src3.shape[1]
    rows_per_tile = n_pad // NS
    mesh = plsc.VectorSubcoreMesh(core_axis_name="c", subcore_axis_name="s")

    @functools.partial(
        pl.kernel,
        out_type=jax.ShapeDtypeStruct((NC, n_pad, WPAD), jnp.float32),
        mesh=mesh,
        scratch_types=[
            pltpu.VMEM((n_chunks, CHUNK), jnp.int32),
            pltpu.VMEM((n_chunks, CHUNK), jnp.int32),
            pltpu.VMEM((CHUNK, WPAD), jnp.float32),
            pltpu.VMEM((rows_per_tile, WPAD), jnp.float32),
            pltpu.VMEM_SHARED((n_pad, WPAD), jnp.float32),
            pltpu.VMEM_SHARED((n_pad, WPAD), jnp.float32),
            pltpu.SemaphoreType.DMA,
            pltpu.SemaphoreType.DMA,
        ],
        compiler_params=pltpu.CompilerParams(use_tc_tiling_on_sc=False),
    )
    def k(h_hbm, src_hbm, dst_hbm, z_hbm, out_hbm, src_v, dst_v, rows_v,
          buf_v, acc_sh, h_sh, sem, sem_i):
        cid = lax.axis_index("c")
        sid = lax.axis_index("s")
        wid = sid * NC + cid
        r0 = sid * rows_per_tile

        ci = pltpu.async_copy(src_hbm.at[wid], src_v, sem_i)
        cj = pltpu.async_copy(dst_hbm.at[wid], dst_v, sem_i)
        ch = pltpu.async_copy(
            h_hbm.at[pl.ds(r0, rows_per_tile)],
            h_sh.at[pl.ds(r0, rows_per_tile)], sem)
        cz = pltpu.async_copy(z_hbm, acc_sh.at[pl.ds(r0, rows_per_tile)], sem)
        ci.wait()
        cj.wait()
        ch.wait()
        cz.wait()
        plsc.subcore_barrier()

        def body(j, _):
            pltpu.async_copy(h_sh.at[src_v.at[j]], rows_v, sem).wait()
            pltpu.sync_copy(rows_v, acc_sh.at[dst_v.at[j]], add=True)
            return 0
        lax.fori_loop(0, n_chunks, body, 0)

        plsc.subcore_barrier()
        pltpu.sync_copy(acc_sh.at[pl.ds(r0, rows_per_tile)],
                        out_hbm.at[cid, pl.ds(r0, rows_per_tile)])
        _ = buf_v

    return k(h_pad, src3, dst3, zeros_slice)


def _pad_cols(h):
    bm = h.shape[0]
    ones = jnp.ones((bm, 1), jnp.float32)
    zeros = jnp.zeros((bm, WPAD - h.shape[1] - 1), jnp.float32)
    return jnp.concatenate([h, ones, zeros], axis=1)


def _tc_init(x, w, n_pad, bm=1024):
    d = w.shape[1]

    def body(x_ref, w_ref, o_ref):
        h = jnp.maximum(
            jnp.dot(x_ref[...], w_ref[...],
                    preferred_element_type=jnp.float32), 0.0)
        o_ref[...] = _pad_cols(h)

    grid = (pl.cdiv(n_pad, bm),)
    return pl.pallas_call(
        body,
        grid=grid,
        in_specs=[
            pl.BlockSpec((bm, x.shape[1]), lambda i: (i, 0)),
            pl.BlockSpec((x.shape[1], d), lambda i: (0, 0)),
        ],
        out_specs=pl.BlockSpec((bm, WPAD), lambda i: (i, 0)),
        out_shape=jax.ShapeDtypeStruct((n_pad, WPAD), jnp.float32),
    )(x, w)


def _tc_layer(partials, w, n_pad, bm=1024):
    d = w.shape[0]

    def body(p_ref, w_ref, o_ref):
        s = p_ref[0] + p_ref[1]
        deg = s[:, d : d + 1]
        inv = 1.0 / jnp.maximum(deg, 1.0)
        agg = s[:, :d] * inv
        h = jnp.maximum(
            jnp.dot(agg, w_ref[...], preferred_element_type=jnp.float32), 0.0)
        o_ref[...] = _pad_cols(h)

    grid = (pl.cdiv(n_pad, bm),)
    return pl.pallas_call(
        body,
        grid=grid,
        in_specs=[
            pl.BlockSpec((NC, bm, WPAD), lambda i: (0, i, 0)),
            pl.BlockSpec((d, w.shape[1]), lambda i: (0, 0)),
        ],
        out_specs=pl.BlockSpec((bm, WPAD), lambda i: (i, 0)),
        out_shape=jax.ShapeDtypeStruct((n_pad, WPAD), jnp.float32),
    )(partials, w)


def _tc_final(h0p, h1p, partials, w, n, bm=1000):
    d = w.shape[0]

    def body(h0_ref, h1_ref, p_ref, w_ref, o_ref):
        s = p_ref[0] + p_ref[1]
        deg = s[:, d : d + 1]
        inv = 1.0 / jnp.maximum(deg, 1.0)
        agg = s[:, :d] * inv
        h2 = jnp.maximum(
            jnp.dot(agg, w_ref[...], preferred_element_type=jnp.float32), 0.0)
        o_ref[...] = jnp.concatenate(
            [h0_ref[:, :d], h1_ref[:, :d], h2], axis=1)

    grid = (pl.cdiv(n, bm),)
    return pl.pallas_call(
        body,
        grid=grid,
        in_specs=[
            pl.BlockSpec((bm, WPAD), lambda i: (i, 0)),
            pl.BlockSpec((bm, WPAD), lambda i: (i, 0)),
            pl.BlockSpec((NC, bm, WPAD), lambda i: (0, i, 0)),
            pl.BlockSpec((d, w.shape[1]), lambda i: (0, 0)),
        ],
        out_specs=pl.BlockSpec((bm, 3 * d), lambda i: (i, 0)),
        out_shape=jax.ShapeDtypeStruct((n, 3 * d), jnp.float32),
    )(h0p, h1p, partials, w)


@jax.jit
def kernel(x, edge_index, W_init, W1, W2):
    n = x.shape[0]
    e = edge_index.shape[1]
    n_pad = ((n + NS * 8) // (NS * 8)) * (NS * 8)
    ecb = NW * CHUNK
    e_pad = ((e + ecb - 1) // ecb) * ecb

    pad = jnp.full((e_pad - e,), n, jnp.int32)
    src3 = jnp.concatenate([edge_index[0], pad]).reshape(NW, -1, CHUNK)
    dst3 = jnp.concatenate([edge_index[1], pad]).reshape(NW, -1, CHUNK)

    zeros_slice = jnp.zeros((n_pad // NS, WPAD), jnp.float32)
    h0p = _tc_init(x, W_init, n_pad)
    p1 = _sc_segment_sum(h0p, src3, dst3, zeros_slice, n_pad)
    h1p = _tc_layer(p1, W1, n_pad)
    p2 = _sc_segment_sum(h1p, src3, dst3, zeros_slice, n_pad)
    return _tc_final(h0p, h1p, p2, W2, n)

# --- scband reference (transcript-rebuilt; emitter-appended) ---
"""Pipeline reference for scband-accgraph-sage-81329500717447 (READ-ONLY COPY).

The authoritative reference and input builder live on the scoring server;
editing this copy changes nothing except your own understanding.
"""

import jax, jax.numpy as jnp
import numpy as np

N = 10000
E = 320000
IN_DIM = 128
# get_emb_dims(in_dim=128, max_dim=128, num_steps=2, min_add_dim=2, directed=False):
#   dim_per_step = max(128 // 3, 2) = 42; dims = [min(128,42), min(128,42), min(128,42)] = [42,42,42]
#   init_dim = 42, layer_dims = [42, 42], out_dim = 126
INIT_DIM = 42
LAYER_DIMS = (42, 42)


def setup_inputs(seed: int = 0):
    key = jax.random.key(seed)
    ks = jax.random.split(key, 5)
    x = jax.random.normal(ks[0], (N, IN_DIM), dtype=jnp.float32)
    edge_index = jax.random.randint(ks[1], (2, E), 0, N, dtype=jnp.int32)
    W_init = jax.random.normal(ks[2], (IN_DIM, INIT_DIM), dtype=jnp.float32) * 0.05
    W1 = jax.random.normal(ks[3], (INIT_DIM, LAYER_DIMS[0]), dtype=jnp.float32) * 0.1
    W2 = jax.random.normal(ks[4], (LAYER_DIMS[0], LAYER_DIMS[1]), dtype=jnp.float32) * 0.1
    return {"x": x, "edge_index": edge_index, "W_init": W_init, "W1": W1, "W2": W2}


def _mean_agg(h, src, dst, num_nodes):
    # DGL SAGEConv 'mean' aggregator: mean of in-neighbor (src) features at each dst node
    msg = jnp.take(h, src, axis=0)
    summed = jax.ops.segment_sum(msg, dst, num_segments=num_nodes)
    deg = jax.ops.segment_sum(jnp.ones((src.shape[0],), dtype=h.dtype), dst, num_segments=num_nodes)
    return summed / jnp.clip(deg, 1.0, None)[:, None]


def reference(x, edge_index, W_init, W1, W2):
    src = edge_index[0]
    dst = edge_index[1]
    n = x.shape[0]
    # init_layer: Dropout(0.0) -> Linear(128->42, bias=False) -> ReLU
    h = jax.nn.relu(x @ W_init)
    z = [h]
    # ACCConv layers: mean-aggregate neighbors, fc_neigh, ReLU (norm=None since encoding=False)
    for W in (W1, W2):
        agg = _mean_agg(h, src, dst, n)
        h = jax.nn.relu(agg @ W)
        z.append(h)
    return jnp.concatenate(z, axis=1)  # [N, 126]

if __name__ == "__main__":
    import jax
    _d = setup_inputs()
    print(jax.jit(kernel)(*tuple(_d.values())))

</pallas_src>

<mosaic_0001>
#map = affine_map<(d0, d1) -> (0, 0)>
#map1 = affine_map<(d0, d1) -> (0, 0, 0)>
module attributes {stable_mosaic.version = 14 : i64} {
  func.func @k(%arg0: i32, %arg1: i32, %arg2: memref<10112x48xf32, #tpu.memory_space<hbm>>, %arg3: memref<32x79x128xi32, #tpu.memory_space<hbm>>, %arg4: memref<32x79x128xi32, #tpu.memory_space<hbm>>, %arg5: memref<632x48xf32, #tpu.memory_space<hbm>>, %arg6: memref<2x10112x48xf32, #tpu.memory_space<hbm>>, %arg7: memref<79x128xi32, #tpu.memory_space<vmem>>, %arg8: memref<79x128xi32, #tpu.memory_space<vmem>>, %arg9: memref<128x48xf32, #tpu.memory_space<vmem>>, %arg10: memref<632x48xf32, #tpu.memory_space<vmem>>, %arg11: memref<10112x48xf32, #tpu.memory_space<vmem_shared>>, %arg12: memref<10112x48xf32, #tpu.memory_space<vmem_shared>>, %arg13: memref<!tpu.dma_semaphore, #tpu.memory_space<semaphore_mem>>, %arg14: memref<!tpu.dma_semaphore, #tpu.memory_space<semaphore_mem>>) attributes {dimension_semantics = [#tpu.dimension_semantics<core_parallel>, #tpu.dimension_semantics<subcore_parallel>], iteration_bounds = array<i64: 2, 16>, scalar_prefetch = 0 : i64, scratch_operands = 8 : i64, tpu.core_type = #tpu.core_type<sc_vector_subcore>, window_params = [{transform_indices = #map}, {transform_indices = #map1}, {transform_indices = #map1}, {transform_indices = #map}, {transform_indices = #map1}]} {
    %mul3A = arith.constant 2 : i32
    %mul3A_0 = arith.muli %arg1, %mul3A : i32
    %add3A = arith.addi %mul3A_0, %arg0 : i32
    %mul3A_1 = arith.constant 632 : i32
    %mul3A_2 = arith.muli %arg1, %mul3A_1 : i32
    %dma_start3A = arith.constant 0 : i32
    %dma_start3A_3 = arith.constant 0 : i32
    %dma_start3A_4 = tpu.memref_slice %arg3[%add3A, %dma_start3A, %dma_start3A_3] : memref<32x79x128xi32, #tpu.memory_space<hbm>> -> memref<1x79x128xi32, #tpu.memory_space<hbm>>
    %dma_start3A_5 = tpu.memref_squeeze %dma_start3A_4 : memref<1x79x128xi32, #tpu.memory_space<hbm>> -> memref<79x128xi32, #tpu.memory_space<hbm>>
    %dma_start3A_6 = arith.constant 0 : i32
    %dma_start3A_7 = arith.constant 0 : i32
    %dma_start3A_8 = tpu.memref_slice %arg3[%add3A, %dma_start3A_6, %dma_start3A_7] : memref<32x79x128xi32, #tpu.memory_space<hbm>> -> memref<1x79x128xi32, #tpu.memory_space<hbm>>
    %dma_start3A_9 = tpu.memref_squeeze %dma_start3A_8 : memref<1x79x128xi32, #tpu.memory_space<hbm>> -> memref<79x128xi32, #tpu.memory_space<hbm>>
    tpu.enqueue_dma source(%dma_start3A_9 : memref<79x128xi32, #tpu.memory_space<hbm>>) target(%arg7 : memref<79x128xi32, #tpu.memory_space<vmem>>) target_semaphore(%arg14 : memref<!tpu.dma_semaphore, #tpu.memory_space<semaphore_mem>>)
    %dma_start3A_10 = arith.constant 0 : i32
    %dma_start3A_11 = arith.constant 0 : i32
    %dma_start3A_12 = tpu.memref_slice %arg4[%add3A, %dma_start3A_10, %dma_start3A_11] : memref<32x79x128xi32, #tpu.memory_space<hbm>> -> memref<1x79x128xi32, #tpu.memory_space<hbm>>
    %dma_start3A_13 = tpu.memref_squeeze %dma_start3A_12 : memref<1x79x128xi32, #tpu.memory_space<hbm>> -> memref<79x128xi32, #tpu.memory_space<hbm>>
    %dma_start3A_14 = arith.constant 0 : i32
    %dma_start3A_15 = arith.constant 0 : i32
    %dma_start3A_16 = tpu.memref_slice %arg4[%add3A, %dma_start3A_14, %dma_start3A_15] : memref<32x79x128xi32, #tpu.memory_space<hbm>> -> memref<1x79x128xi32, #tpu.memory_space<hbm>>
    %dma_start3A_17 = tpu.memref_squeeze %dma_start3A_16 : memref<1x79x128xi32, #tpu.memory_space<hbm>> -> memref<79x128xi32, #tpu.memory_space<hbm>>
    tpu.enqueue_dma source(%dma_start3A_17 : memref<79x128xi32, #tpu.memory_space<hbm>>) target(%arg8 : memref<79x128xi32, #tpu.memory_space<vmem>>) target_semaphore(%arg14 : memref<!tpu.dma_semaphore, #tpu.memory_space<semaphore_mem>>)
    %dma_start3A_18 = arith.constant 0 : i32
    %dma_start3A_19 = tpu.memref_slice %arg12[%mul3A_2, %dma_start3A_18] : memref<10112x48xf32, #tpu.memory_space<vmem_shared>> -> memref<632x48xf32, #tpu.memory_space<vmem_shared>>
    %dma_start3A_20 = arith.constant 0 : i32
    %dma_start3A_21 = tpu.memref_slice %arg2[%mul3A_2, %dma_start3A_20] : memref<10112x48xf32, #tpu.memory_space<hbm>> -> memref<632x48xf32, #tpu.memory_space<hbm>>
    tpu.enqueue_dma source(%dma_start3A_21 : memref<632x48xf32, #tpu.memory_space<hbm>>) target(%dma_start3A_19 : memref<632x48xf32, #tpu.memory_space<vmem_shared>>) target_semaphore(%arg13 : memref<!tpu.dma_semaphore, #tpu.memory_space<semaphore_mem>>)
    %dma_start3A_22 = arith.constant 0 : i32
    %dma_start3A_23 = tpu.memref_slice %arg11[%mul3A_2, %dma_start3A_22] : memref<10112x48xf32, #tpu.memory_space<vmem_shared>> -> memref<632x48xf32, #tpu.memory_space<vmem_shared>>
    tpu.enqueue_dma source(%arg5 : memref<632x48xf32, #tpu.memory_space<hbm>>) target(%dma_start3A_23 : memref<632x48xf32, #tpu.memory_space<vmem_shared>>) target_semaphore(%arg13 : memref<!tpu.dma_semaphore, #tpu.memory_space<semaphore_mem>>)
    %dma_wait3A = arith.constant 0 : i32
    %dma_wait3A_24 = arith.constant 0 : i32
    %dma_wait3A_25 = tpu.memref_slice %arg3[%add3A, %dma_wait3A, %dma_wait3A_24] : memref<32x79x128xi32, #tpu.memory_space<hbm>> -> memref<1x79x128xi32, #tpu.memory_space<hbm>>
    %dma_wait3A_26 = tpu.memref_squeeze %dma_wait3A_25 : memref<1x79x128xi32, #tpu.memory_space<hbm>> -> memref<79x128xi32, #tpu.memory_space<hbm>>
    %dma_wait3A_27 = arith.constant 0 : i32
    %dma_wait3A_28 = arith.constant 0 : i32
    %dma_wait3A_29 = tpu.memref_slice %arg3[%add3A, %dma_wait3A_27, %dma_wait3A_28] : memref<32x79x128xi32, #tpu.memory_space<hbm>> -> memref<1x79x128xi32, #tpu.memory_space<hbm>>
    %dma_wait3A_30 = tpu.memref_squeeze %dma_wait3A_29 : memref<1x79x128xi32, #tpu.memory_space<hbm>> -> memref<79x128xi32, #tpu.memory_space<hbm>>
    tpu.wait_dma2 semaphore(%arg14 : memref<!tpu.dma_semaphore, #tpu.memory_space<semaphore_mem>>) src(%dma_wait3A_30 : memref<79x128xi32, #tpu.memory_space<hbm>>) dst(%arg7 : memref<79x128xi32, #tpu.memory_space<vmem>>)
    %dma_wait3A_31 = arith.constant 0 : i32
    %dma_wait3A_32 = arith.constant 0 : i32
    %dma_wait3A_33 = tpu.memref_slice %arg4[%add3A, %dma_wait3A_31, %dma_wait3A_32] : memref<32x79x128xi32, #tpu.memory_space<hbm>> -> memref<1x79x128xi32, #tpu.memory_space<hbm>>
    %dma_wait3A_34 = tpu.memref_squeeze %dma_wait3A_33 : memref<1x79x128xi32, #tpu.memory_space<hbm>> -> memref<79x128xi32, #tpu.memory_space<hbm>>
    %dma_wait3A_35 = arith.constant 0 : i32
    %dma_wait3A_36 = arith.constant 0 : i32
    %dma_wait3A_37 = tpu.memref_slice %arg4[%add3A, %dma_wait3A_35, %dma_wait3A_36] : memref<32x79x128xi32, #tpu.memory_space<hbm>> -> memref<1x79x128xi32, #tpu.memory_space<hbm>>
    %dma_wait3A_38 = tpu.memref_squeeze %dma_wait3A_37 : memref<1x79x128xi32, #tpu.memory_space<hbm>> -> memref<79x128xi32, #tpu.memory_space<hbm>>
    tpu.wait_dma2 semaphore(%arg14 : memref<!tpu.dma_semaphore, #tpu.memory_space<semaphore_mem>>) src(%dma_wait3A_38 : memref<79x128xi32, #tpu.memory_space<hbm>>) dst(%arg8 : memref<79x128xi32, #tpu.memory_space<vmem>>)
    %dma_wait3A_39 = arith.constant 0 : i32
    %dma_wait3A_40 = tpu.memref_slice %arg12[%mul3A_2, %dma_wait3A_39] : memref<10112x48xf32, #tpu.memory_space<vmem_shared>> -> memref<632x48xf32, #tpu.memory_space<vmem_shared>>
    %dma_wait3A_41 = arith.constant 0 : i32
    %dma_wait3A_42 = tpu.memref_slice %arg2[%mul3A_2, %dma_wait3A_41] : memref<10112x48xf32, #tpu.memory_space<hbm>> -> memref<632x48xf32, #tpu.memory_space<hbm>>
    tpu.wait_dma2 semaphore(%arg13 : memref<!tpu.dma_semaphore, #tpu.memory_space<semaphore_mem>>) src(%dma_wait3A_42 : memref<632x48xf32, #tpu.memory_space<hbm>>) dst(%dma_wait3A_40 : memref<632x48xf32, #tpu.memory_space<vmem_shared>>)
    %dma_wait3A_43 = arith.constant 0 : i32
    %dma_wait3A_44 = tpu.memref_slice %arg11[%mul3A_2, %dma_wait3A_43] : memref<10112x48xf32, #tpu.memory_space<vmem_shared>> -> memref<632x48xf32, #tpu.memory_space<vmem_shared>>
    tpu.wait_dma2 semaphore(%arg13 : memref<!tpu.dma_semaphore, #tpu.memory_space<semaphore_mem>>) src(%arg5 : memref<632x48xf32, #tpu.memory_space<hbm>>) dst(%dma_wait3A_44 : memref<632x48xf32, #tpu.memory_space<vmem_shared>>)
    %barrier3A = arith.constant 0 : index
    tpu.barrier barrier_id(%barrier3A)
    %scan3A = arith.constant 0 : i32
    %scan3A_45 = arith.constant 0 : i32
    %scan3A_46 = arith.constant 79 : i32
    %scan3A_47 = arith.addi %scan3A_45, %scan3A_46 : i32
    %scan3A_48 = arith.constant 1 : i32
    %scan3A_49 = scf.for %scan3A_52 = %scan3A_45 to %scan3A_47 step %scan3A_48 iter_args(%scan3A_53 = %scan3A) -> (i32)  : i32 {
      %dma_start3A_54 = arith.constant 0 : i32
      %dma_start3A_55 = tpu.memref_slice %arg7[%scan3A_52, %dma_start3A_54] : memref<79x128xi32, #tpu.memory_space<vmem>> -> memref<1x128xi32, #tpu.memory_space<vmem>>
      %dma_start3A_56 = tpu.memref_squeeze %dma_start3A_55 : memref<1x128xi32, #tpu.memory_space<vmem>> -> memref<128xi32, #tpu.memory_space<vmem>>
      %dma_start3A_57 = arith.constant 0 : i32
      %dma_start3A_58 = arith.constant 0 : i32
      %dma_start3A_59 = tpu.memref_slice %arg12[%dma_start3A_57, %dma_start3A_58] : memref<10112x48xf32, #tpu.memory_space<vmem_shared>> -> memref<10112x48xf32, #tpu.memory_space<vmem_shared>>
      tpu.enqueue_indirect_dma source(%dma_start3A_59 : memref<10112x48xf32, #tpu.memory_space<vmem_shared>>) target(%arg9 : memref<128x48xf32, #tpu.memory_space<vmem>>) offsets(%dma_start3A_56 : memref<128xi32, #tpu.memory_space<vmem>>) semaphore(%arg13 : memref<!tpu.dma_semaphore, #tpu.memory_space<semaphore_mem>>)
      %dma_wait3A_60 = arith.constant 0 : i32
      %dma_wait3A_61 = tpu.memref_slice %arg7[%scan3A_52, %dma_wait3A_60] : memref<79x128xi32, #tpu.memory_space<vmem>> -> memref<1x128xi32, #tpu.memory_space<vmem>>
      %dma_wait3A_62 = tpu.memref_squeeze %dma_wait3A_61 : memref<1x128xi32, #tpu.memory_space<vmem>> -> memref<128xi32, #tpu.memory_space<vmem>>
      %dma_wait3A_63 = arith.constant 0 : i32
      %dma_wait3A_64 = arith.constant 0 : i32
      %dma_wait3A_65 = tpu.memref_slice %arg12[%dma_wait3A_63, %dma_wait3A_64] : memref<10112x48xf32, #tpu.memory_space<vmem_shared>> -> memref<10112x48xf32, #tpu.memory_space<vmem_shared>>
      tpu.wait_indirect_dma semaphore(%arg13 : memref<!tpu.dma_semaphore, #tpu.memory_space<semaphore_mem>>) src(%dma_wait3A_65 : memref<10112x48xf32, #tpu.memory_space<vmem_shared>>) dst(%arg9 : memref<128x48xf32, #tpu.memory_space<vmem>>)
      "tpu.region"() ({
        %run_scoped3A = tpu.sem_alloc : memref<!tpu.dma_semaphore, #tpu.memory_space<semaphore_mem>>
        %dma_start3A_67 = arith.constant 0 : i32
        %dma_start3A_68 = tpu.memref_slice %arg8[%scan3A_52, %dma_start3A_67] : memref<79x128xi32, #tpu.memory_space<vmem>> -> memref<1x128xi32, #tpu.memory_space<vmem>>
        %dma_start3A_69 = tpu.memref_squeeze %dma_start3A_68 : memref<1x128xi32, #tpu.memory_space<vmem>> -> memref<128xi32, #tpu.memory_space<vmem>>
        %dma_start3A_70 = arith.constant 0 : i32
        %dma_start3A_71 = arith.constant 0 : i32
        %dma_start3A_72 = tpu.memref_slice %arg11[%dma_start3A_70, %dma_start3A_71] : memref<10112x48xf32, #tpu.memory_space<vmem_shared>> -> memref<10112x48xf32, #tpu.memory_space<vmem_shared>>
        tpu.enqueue_indirect_dma source(%arg9 : memref<128x48xf32, #tpu.memory_space<vmem>>) target(%dma_start3A_72 : memref<10112x48xf32, #tpu.memory_space<vmem_shared>>) offsets(%dma_start3A_69 : memref<128xi32, #tpu.memory_space<vmem>>) semaphore(%run_scoped3A : memref<!tpu.dma_semaphore, #tpu.memory_space<semaphore_mem>>) {add = true}
        %dma_wait3A_73 = arith.constant 0 : i32
        %dma_wait3A_74 = tpu.memref_slice %arg8[%scan3A_52, %dma_wait3A_73] : memref<79x128xi32, #tpu.memory_space<vmem>> -> memref<1x128xi32, #tpu.memory_space<vmem>>
        %dma_wait3A_75 = tpu.memref_squeeze %dma_wait3A_74 : memref<1x128xi32, #tpu.memory_space<vmem>> -> memref<128xi32, #tpu.memory_space<vmem>>
        %dma_wait3A_76 = arith.constant 0 : i32
        %dma_wait3A_77 = arith.constant 0 : i32
        %dma_wait3A_78 = tpu.memref_slice %arg11[%dma_wait3A_76, %dma_wait3A_77] : memref<10112x48xf32, #tpu.memory_space<vmem_shared>> -> memref<10112x48xf32, #tpu.memory_space<vmem_shared>>
        tpu.wait_indirect_dma semaphore(%run_scoped3A : memref<!tpu.dma_semaphore, #tpu.memory_space<semaphore_mem>>) src(%arg9 : memref<128x48xf32, #tpu.memory_space<vmem>>) dst(%dma_wait3A_78 : memref<10112x48xf32, #tpu.memory_space<vmem_shared>>)
        tpu.yield
      }) : () -> ()
      %scan3A_66 = arith.constant 0 : i32
      scf.yield %scan3A_66 : i32
    }
    %scan3A_50 = arith.constant 79 : i32
    %barrier3A_51 = arith.constant 0 : index
    tpu.barrier barrier_id(%barrier3A_51)
    "tpu.region"() ({
      %run_scoped3A = tpu.sem_alloc : memref<!tpu.dma_semaphore, #tpu.memory_space<semaphore_mem>>
      %dma_start3A_52 = arith.constant 0 : i32
      %dma_start3A_53 = tpu.memref_slice %arg6[%arg0, %mul3A_2, %dma_start3A_52] : memref<2x10112x48xf32, #tpu.memory_space<hbm>> -> memref<1x632x48xf32, #tpu.memory_space<hbm>>
      %dma_start3A_54 = tpu.memref_squeeze %dma_start3A_53 : memref<1x632x48xf32, #tpu.memory_space<hbm>> -> memref<632x48xf32, #tpu.memory_space<hbm>>
      %dma_start3A_55 = arith.constant 0 : i32
      %dma_start3A_56 = tpu.memref_slice %arg11[%mul3A_2, %dma_start3A_55] : memref<10112x48xf32, #tpu.memory_space<vmem_shared>> -> memref<632x48xf32, #tpu.memory_space<vmem_shared>>
      tpu.enqueue_dma source(%dma_start3A_56 : memref<632x48xf32, #tpu.memory_space<vmem_shared>>) target(%dma_start3A_54 : memref<632x48xf32, #tpu.memory_space<hbm>>) target_semaphore(%run_scoped3A : memref<!tpu.dma_semaphore, #tpu.memory_space<semaphore_mem>>)
      %dma_wait3A_57 = arith.constant 0 : i32
      %dma_wait3A_58 = tpu.memref_slice %arg6[%arg0, %mul3A_2, %dma_wait3A_57] : memref<2x10112x48xf32, #tpu.memory_space<hbm>> -> memref<1x632x48xf32, #tpu.memory_space<hbm>>
      %dma_wait3A_59 = tpu.memref_squeeze %dma_wait3A_58 : memref<1x632x48xf32, #tpu.memory_space<hbm>> -> memref<632x48xf32, #tpu.memory_space<hbm>>
      %dma_wait3A_60 = arith.constant 0 : i32
      %dma_wait3A_61 = tpu.memref_slice %arg11[%mul3A_2, %dma_wait3A_60] : memref<10112x48xf32, #tpu.memory_space<vmem_shared>> -> memref<632x48xf32, #tpu.memory_space<vmem_shared>>
      tpu.wait_dma2 semaphore(%run_scoped3A : memref<!tpu.dma_semaphore, #tpu.memory_space<semaphore_mem>>) src(%dma_wait3A_61 : memref<632x48xf32, #tpu.memory_space<vmem_shared>>) dst(%dma_wait3A_59 : memref<632x48xf32, #tpu.memory_space<hbm>>)
      tpu.yield
    }) : () -> ()
    return
  }
}

#map = affine_map<(d0, d1) -> (0, 0)>
#map1 = affine_map<(d0, d1) -> (0, 0, 0)>
module attributes {stable_mosaic.version = 14 : i64} {
  func.func @k(%arg0: i32, %arg1: i32, %arg2: memref<10112x48xf32, #tpu.memory_space<hbm>>, %arg3: memref<32x79x128xi32, #tpu.memory_space<hbm>>, %arg4: memref<32x79x128xi32, #tpu.memory_space<hbm>>, %arg5: memref<632x48xf32, #tpu.memory_space<hbm>>, %arg6: memref<2x10112x48xf32, #tpu.memory_space<hbm>>, %arg7: memref<79x128xi32, #tpu.memory_space<vmem>>, %arg8: memref<79x128xi32, #tpu.memory_space<vmem>>, %arg9: memref<128x48xf32, #tpu.memory_space<vmem>>, %arg10: memref<632x48xf32, #tpu.memory_space<vmem>>, %arg11: memref<10112x48xf32, #tpu.memory_space<vmem_shared>>, %arg12: memref<10112x48xf32, #tpu.memory_space<vmem_shared>>, %arg13: memref<!tpu.dma_semaphore, #tpu.memory_space<semaphore_mem>>, %arg14: memref<!tpu.dma_semaphore, #tpu.memory_space<semaphore_mem>>) attributes {dimension_semantics = [#tpu.dimension_semantics<core_parallel>, #tpu.dimension_semantics<subcore_parallel>], iteration_bounds = array<i64: 2, 16>, scalar_prefetch = 0 : i64, scratch_operands = 8 : i64, tpu.core_type = #tpu.core_type<sc_vector_subcore>, window_params = [{transform_indices = #map}, {transform_indices = #map1}, {transform_indices = #map1}, {transform_indices = #map}, {transform_indices = #map1}]} {
    %mul3A = arith.constant 2 : i32
    %mul3A_0 = arith.muli %arg1, %mul3A : i32
    %add3A = arith.addi %mul3A_0, %arg0 : i32
    %mul3A_1 = arith.constant 632 : i32
    %mul3A_2 = arith.muli %arg1, %mul3A_1 : i32
    %dma_start3A = arith.constant 0 : i32
    %dma_start3A_3 = arith.constant 0 : i32
    %dma_start3A_4 = tpu.memref_slice %arg3[%add3A, %dma_start3A, %dma_start3A_3] : memref<32x79x128xi32, #tpu.memory_space<hbm>> -> memref<1x79x128xi32, #tpu.memory_space<hbm>>
    %dma_start3A_5 = tpu.memref_squeeze %dma_start3A_4 : memref<1x79x128xi32, #tpu.memory_space<hbm>> -> memref<79x128xi32, #tpu.memory_space<hbm>>
    %dma_start3A_6 = arith.constant 0 : i32
    %dma_start3A_7 = arith.constant 0 : i32
    %dma_start3A_8 = tpu.memref_slice %arg3[%add3A, %dma_start3A_6, %dma_start3A_7] : memref<32x79x128xi32, #tpu.memory_space<hbm>> -> memref<1x79x128xi32, #tpu.memory_space<hbm>>
    %dma_start3A_9 = tpu.memref_squeeze %dma_start3A_8 : memref<1x79x128xi32, #tpu.memory_space<hbm>> -> memref<79x128xi32, #tpu.memory_space<hbm>>
    tpu.enqueue_dma source(%dma_start3A_9 : memref<79x128xi32, #tpu.memory_space<hbm>>) target(%arg7 : memref<79x128xi32, #tpu.memory_space<vmem>>) target_semaphore(%arg14 : memref<!tpu.dma_semaphore, #tpu.memory_space<semaphore_mem>>)
    %dma_start3A_10 = arith.constant 0 : i32
    %dma_start3A_11 = arith.constant 0 : i32
    %dma_start3A_12 = tpu.memref_slice %arg4[%add3A, %dma_start3A_10, %dma_start3A_11] : memref<32x79x128xi32, #tpu.memory_space<hbm>> -> memref<1x79x128xi32, #tpu.memory_space<hbm>>
    %dma_start3A_13 = tpu.memref_squeeze %dma_start3A_12 : memref<1x79x128xi32, #tpu.memory_space<hbm>> -> memref<79x128xi32, #tpu.memory_space<hbm>>
    %dma_start3A_14 = arith.constant 0 : i32
    %dma_start3A_15 = arith.constant 0 : i32
    %dma_start3A_16 = tpu.memref_slice %arg4[%add3A, %dma_start3A_14, %dma_start3A_15] : memref<32x79x128xi32, #tpu.memory_space<hbm>> -> memref<1x79x128xi32, #tpu.memory_space<hbm>>
    %dma_start3A_17 = tpu.memref_squeeze %dma_start3A_16 : memref<1x79x128xi32, #tpu.memory_space<hbm>> -> memref<79x128xi32, #tpu.memory_space<hbm>>
    tpu.enqueue_dma source(%dma_start3A_17 : memref<79x128xi32, #tpu.memory_space<hbm>>) target(%arg8 : memref<79x128xi32, #tpu.memory_space<vmem>>) target_semaphore(%arg14 : memref<!tpu.dma_semaphore, #tpu.memory_space<semaphore_mem>>)
    %dma_start3A_18 = arith.constant 0 : i32
    %dma_start3A_19 = tpu.memref_slice %arg12[%mul3A_2, %dma_start3A_18] : memref<10112x48xf32, #tpu.memory_space<vmem_shared>> -> memref<632x48xf32, #tpu.memory_space<vmem_shared>>
    %dma_start3A_20 = arith.constant 0 : i32
    %dma_start3A_21 = tpu.memref_slice %arg2[%mul3A_2, %dma_start3A_20] : memref<10112x48xf32, #tpu.memory_space<hbm>> -> memref<632x48xf32, #tpu.memory_space<hbm>>
    tpu.enqueue_dma source(%dma_start3A_21 : memref<632x48xf32, #tpu.memory_space<hbm>>) target(%dma_start3A_19 : memref<632x48xf32, #tpu.memory_space<vmem_shared>>) target_semaphore(%arg13 : memref<!tpu.dma_semaphore, #tpu.memory_space<semaphore_mem>>)
    %dma_start3A_22 = arith.constant 0 : i32
    %dma_start3A_23 = tpu.memref_slice %arg11[%mul3A_2, %dma_start3A_22] : memref<10112x48xf32, #tpu.memory_space<vmem_shared>> -> memref<632x48xf32, #tpu.memory_space<vmem_shared>>
    tpu.enqueue_dma source(%arg5 : memref<632x48xf32, #tpu.memory_space<hbm>>) target(%dma_start3A_23 : memref<632x48xf32, #tpu.memory_space<vmem_shared>>) target_semaphore(%arg13 : memref<!tpu.dma_semaphore, #tpu.memory_space<semaphore_mem>>)
    %dma_wait3A = arith.constant 0 : i32
    %dma_wait3A_24 = arith.constant 0 : i32
    %dma_wait3A_25 = tpu.memref_slice %arg3[%add3A, %dma_wait3A, %dma_wait3A_24] : memref<32x79x128xi32, #tpu.memory_space<hbm>> -> memref<1x79x128xi32, #tpu.memory_space<hbm>>
    %dma_wait3A_26 = tpu.memref_squeeze %dma_wait3A_25 : memref<1x79x128xi32, #tpu.memory_space<hbm>> -> memref<79x128xi32, #tpu.memory_space<hbm>>
    %dma_wait3A_27 = arith.constant 0 : i32
    %dma_wait3A_28 = arith.constant 0 : i32
    %dma_wait3A_29 = tpu.memref_slice %arg3[%add3A, %dma_wait3A_27, %dma_wait3A_28] : memref<32x79x128xi32, #tpu.memory_space<hbm>> -> memref<1x79x128xi32, #tpu.memory_space<hbm>>
    %dma_wait3A_30 = tpu.memref_squeeze %dma_wait3A_29 : memref<1x79x128xi32, #tpu.memory_space<hbm>> -> memref<79x128xi32, #tpu.memory_space<hbm>>
    tpu.wait_dma2 semaphore(%arg14 : memref<!tpu.dma_semaphore, #tpu.memory_space<semaphore_mem>>) src(%dma_wait3A_30 : memref<79x128xi32, #tpu.memory_space<hbm>>) dst(%arg7 : memref<79x128xi32, #tpu.memory_space<vmem>>)
    %dma_wait3A_31 = arith.constant 0 : i32
    %dma_wait3A_32 = arith.constant 0 : i32
    %dma_wait3A_33 = tpu.memref_slice %arg4[%add3A, %dma_wait3A_31, %dma_wait3A_32] : memref<32x79x128xi32, #tpu.memory_space<hbm>> -> memref<1x79x128xi32, #tpu.memory_space<hbm>>
    %dma_wait3A_34 = tpu.memref_squeeze %dma_wait3A_33 : memref<1x79x128xi32, #tpu.memory_space<hbm>> -> memref<79x128xi32, #tpu.memory_space<hbm>>
    %dma_wait3A_35 = arith.constant 0 : i32
    %dma_wait3A_36 = arith.constant 0 : i32
    %dma_wait3A_37 = tpu.memref_slice %arg4[%add3A, %dma_wait3A_35, %dma_wait3A_36] : memref<32x79x128xi32, #tpu.memory_space<hbm>> -> memref<1x79x128xi32, #tpu.memory_space<hbm>>
    %dma_wait3A_38 = tpu.memref_squeeze %dma_wait3A_37 : memref<1x79x128xi32, #tpu.memory_space<hbm>> -> memref<79x128xi32, #tpu.memory_space<hbm>>
    tpu.wait_dma2 semaphore(%arg14 : memref<!tpu.dma_semaphore, #tpu.memory_space<semaphore_mem>>) src(%dma_wait3A_38 : memref<79x128xi32, #tpu.memory_space<hbm>>) dst(%arg8 : memref<79x128xi32, #tpu.memory_space<vmem>>)
    %dma_wait3A_39 = arith.constant 0 : i32
    %dma_wait3A_40 = tpu.memref_slice %arg12[%mul3A_2, %dma_wait3A_39] : memref<10112x48xf32, #tpu.memory_space<vmem_shared>> -> memref<632x48xf32, #tpu.memory_space<vmem_shared>>
    %dma_wait3A_41 = arith.constant 0 : i32
    %dma_wait3A_42 = tpu.memref_slice %arg2[%mul3A_2, %dma_wait3A_41] : memref<10112x48xf32, #tpu.memory_space<hbm>> -> memref<632x48xf32, #tpu.memory_space<hbm>>
    tpu.wait_dma2 semaphore(%arg13 : memref<!tpu.dma_semaphore, #tpu.memory_space<semaphore_mem>>) src(%dma_wait3A_42 : memref<632x48xf32, #tpu.memory_space<hbm>>) dst(%dma_wait3A_40 : memref<632x48xf32, #tpu.memory_space<vmem_shared>>)
    %dma_wait3A_43 = arith.constant 0 : i32
    %dma_wait3A_44 = tpu.memref_slice %arg11[%mul3A_2, %dma_wait3A_43] : memref<10112x48xf32, #tpu.memory_space<vmem_shared>> -> memref<632x48xf32, #tpu.memory_space<vmem_shared>>
    tpu.wait_dma2 semaphore(%arg13 : memref<!tpu.dma_semaphore, #tpu.memory_space<semaphore_mem>>) src(%arg5 : memref<632x48xf32, #tpu.memory_space<hbm>>) dst(%dma_wait3A_44 : memref<632x48xf32, #tpu.memory_space<vmem_shared>>)
    %barrier3A = arith.constant 0 : index
    tpu.barrier barrier_id(%barrier3A)
    %scan3A = arith.constant 0 : i32
    %scan3A_45 = arith.constant 0 : i32
    %scan3A_46 = arith.constant 79 : i32
    %scan3A_47 = arith.addi %scan3A_45, %scan3A_46 : i32
    %scan3A_48 = arith.constant 1 : i32
    %scan3A_49 = scf.for %scan3A_52 = %scan3A_45 to %scan3A_47 step %scan3A_48 iter_args(%scan3A_53 = %scan3A) -> (i32)  : i32 {
      %dma_start3A_54 = arith.constant 0 : i32
      %dma_start3A_55 = tpu.memref_slice %arg7[%scan3A_52, %dma_start3A_54] : memref<79x128xi32, #tpu.memory_space<vmem>> -> memref<1x128xi32, #tpu.memory_space<vmem>>
      %dma_start3A_56 = tpu.memref_squeeze %dma_start3A_55 : memref<1x128xi32, #tpu.memory_space<vmem>> -> memref<128xi32, #tpu.memory_space<vmem>>
      %dma_start3A_57 = arith.constant 0 : i32
      %dma_start3A_58 = arith.constant 0 : i32
      %dma_start3A_59 = tpu.memref_slice %arg12[%dma_start3A_57, %dma_start3A_58] : memref<10112x48xf32, #tpu.memory_space<vmem_shared>> -> memref<10112x48xf32, #tpu.memory_space<vmem_shared>>
      tpu.enqueue_indirect_dma source(%dma_start3A_59 : memref<10112x48xf32, #tpu.memory_space<vmem_shared>>) target(%arg9 : memref<128x48xf32, #tpu.memory_space<vmem>>) offsets(%dma_start3A_56 : memref<128xi32, #tpu.memory_space<vmem>>) semaphore(%arg13 : memref<!tpu.dma_semaphore, #tpu.memory_space<semaphore_mem>>)
      %dma_wait3A_60 = arith.constant 0 : i32
      %dma_wait3A_61 = tpu.memref_slice %arg7[%scan3A_52, %dma_wait3A_60] : memref<79x128xi32, #tpu.memory_space<vmem>> -> memref<1x128xi32, #tpu.memory_space<vmem>>
      %dma_wait3A_62 = tpu.memref_squeeze %dma_wait3A_61 : memref<1x128xi32, #tpu.memory_space<vmem>> -> memref<128xi32, #tpu.memory_space<vmem>>
      %dma_wait3A_63 = arith.constant 0 : i32
      %dma_wait3A_64 = arith.constant 0 : i32
      %dma_wait3A_65 = tpu.memref_slice %arg12[%dma_wait3A_63, %dma_wait3A_64] : memref<10112x48xf32, #tpu.memory_space<vmem_shared>> -> memref<10112x48xf32, #tpu.memory_space<vmem_shared>>
      tpu.wait_indirect_dma semaphore(%arg13 : memref<!tpu.dma_semaphore, #tpu.memory_space<semaphore_mem>>) src(%dma_wait3A_65 : memref<10112x48xf32, #tpu.memory_space<vmem_shared>>) dst(%arg9 : memref<128x48xf32, #tpu.memory_space<vmem>>)
      "tpu.region"() ({
        %run_scoped3A = tpu.sem_alloc : memref<!tpu.dma_semaphore, #tpu.memory_space<semaphore_mem>>
        %dma_start3A_67 = arith.constant 0 : i32
        %dma_start3A_68 = tpu.memref_slice %arg8[%scan3A_52, %dma_start3A_67] : memref<79x128xi32, #tpu.memory_space<vmem>> -> memref<1x128xi32, #tpu.memory_space<vmem>>
        %dma_start3A_69 = tpu.memref_squeeze %dma_start3A_68 : memref<1x128xi32, #tpu.memory_space<vmem>> -> memref<128xi32, #tpu.memory_space<vmem>>
        %dma_start3A_70 = arith.constant 0 : i32
        %dma_start3A_71 = arith.constant 0 : i32
        %dma_start3A_72 = tpu.memref_slice %arg11[%dma_start3A_70, %dma_start3A_71] : memref<10112x48xf32, #tpu.memory_space<vmem_shared>> -> memref<10112x48xf32, #tpu.memory_space<vmem_shared>>
        tpu.enqueue_indirect_dma source(%arg9 : memref<128x48xf32, #tpu.memory_space<vmem>>) target(%dma_start3A_72 : memref<10112x48xf32, #tpu.memory_space<vmem_shared>>) offsets(%dma_start3A_69 : memref<128xi32, #tpu.memory_space<vmem>>) semaphore(%run_scoped3A : memref<!tpu.dma_semaphore, #tpu.memory_space<semaphore_mem>>) {add = true}
        %dma_wait3A_73 = arith.constant 0 : i32
        %dma_wait3A_74 = tpu.memref_slice %arg8[%scan3A_52, %dma_wait3A_73] : memref<79x128xi32, #tpu.memory_space<vmem>> -> memref<1x128xi32, #tpu.memory_space<vmem>>
        %dma_wait3A_75 = tpu.memref_squeeze %dma_wait3A_74 : memref<1x128xi32, #tpu.memory_space<vmem>> -> memref<128xi32, #tpu.memory_space<vmem>>
        %dma_wait3A_76 = arith.constant 0 : i32
        %dma_wait3A_77 = arith.constant 0 : i32
        %dma_wait3A_78 = tpu.memref_slice %arg11[%dma_wait3A_76, %dma_wait3A_77] : memref<10112x48xf32, #tpu.memory_space<vmem_shared>> -> memref<10112x48xf32, #tpu.memory_space<vmem_shared>>
        tpu.wait_indirect_dma semaphore(%run_scoped3A : memref<!tpu.dma_semaphore, #tpu.memory_space<semaphore_mem>>) src(%arg9 : memref<128x48xf32, #tpu.memory_space<vmem>>) dst(%dma_wait3A_78 : memref<10112x48xf32, #tpu.memory_space<vmem_shared>>)
        tpu.yield
      }) : () -> ()
      %scan3A_66 = arith.constant 0 : i32
      scf.yield %scan3A_66 : i32
    }
    %scan3A_50 = arith.constant 79 : i32
    %barrier3A_51 = arith.constant 0 : index
    tpu.barrier barrier_id(%barrier3A_51)
    "tpu.region"() ({
      %run_scoped3A = tpu.sem_alloc : memref<!tpu.dma_semaphore, #tpu.memory_space<semaphore_mem>>
      %dma_start3A_52 = arith.constant 0 : i32
      %dma_start3A_53 = tpu.memref_slice %arg6[%arg0, %mul3A_2, %dma_start3A_52] : memref<2x10112x48xf32, #tpu.memory_space<hbm>> -> memref<1x632x48xf32, #tpu.memory_space<hbm>>
      %dma_start3A_54 = tpu.memref_squeeze %dma_start3A_53 : memref<1x632x48xf32, #tpu.memory_space<hbm>> -> memref<632x48xf32, #tpu.memory_space<hbm>>
      %dma_start3A_55 = arith.constant 0 : i32
      %dma_start3A_56 = tpu.memref_slice %arg11[%mul3A_2, %dma_start3A_55] : memref<10112x48xf32, #tpu.memory_space<vmem_shared>> -> memref<632x48xf32, #tpu.memory_space<vmem_shared>>
      tpu.enqueue_dma source(%dma_start3A_56 : memref<632x48xf32, #tpu.memory_space<vmem_shared>>) target(%dma_start3A_54 : memref<632x48xf32, #tpu.memory_space<hbm>>) target_semaphore(%run_scoped3A : memref<!tpu.dma_semaphore, #tpu.memory_space<semaphore_mem>>)
      %dma_wait3A_57 = arith.constant 0 : i32
      %dma_wait3A_58 = tpu.memref_slice %arg6[%arg0, %mul3A_2, %dma_wait3A_57] : memref<2x10112x48xf32, #tpu.memory_space<hbm>> -> memref<1x632x48xf32, #tpu.memory_space<hbm>>
      %dma_wait3A_59 = tpu.memref_squeeze %dma_wait3A_58 : memref<1x632x48xf32, #tpu.memory_space<hbm>> -> memref<632x48xf32, #tpu.memory_space<hbm>>
      %dma_wait3A_60 = arith.constant 0 : i32
      %dma_wait3A_61 = tpu.memref_slice %arg11[%mul3A_2, %dma_wait3A_60] : memref<10112x48xf32, #tpu.memory_space<vmem_shared>> -> memref<632x48xf32, #tpu.memory_space<vmem_shared>>
      tpu.wait_dma2 semaphore(%run_scoped3A : memref<!tpu.dma_semaphore, #tpu.memory_space<semaphore_mem>>) src(%dma_wait3A_61 : memref<632x48xf32, #tpu.memory_space<vmem_shared>>) dst(%dma_wait3A_59 : memref<632x48xf32, #tpu.memory_space<hbm>>)
      tpu.yield
    }) : () -> ()
    return
  }
}

module attributes {stable_mosaic.version = 14 : i64} {
  func.func @body(%arg0: i32, %arg1: memref<1024x128xf32, #tpu.memory_space<vmem>>, %arg2: memref<128x42xf32, #tpu.memory_space<vmem>>, %arg3: memref<1024x48xf32, #tpu.memory_space<vmem>>) attributes {dimension_semantics = [#tpu.dimension_semantics<arbitrary>], iteration_bounds = array<i64: 10>, scalar_prefetch = 0 : i64, scratch_operands = 0 : i64, tpu.core_type = #tpu.core_type<tc>, window_params = [{transform_indices = @transform_0, window_bounds = array<i64: 1024, 128>}, {pipeline_mode = #tpu.pipeline_mode<synchronous>, transform_indices = @transform_1, window_bounds = array<i64: 128, 42>}, {transform_indices = @transform_2, window_bounds = array<i64: 1024, 48>}]} {
    %get3A = arith.constant 0 : index
    %get3A_0 = arith.constant 0 : index
    %get3A_1 = vector.load %arg1[%get3A, %get3A_0] : memref<1024x128xf32, #tpu.memory_space<vmem>>, vector<1024x128xf32>
    %get3A_2 = arith.constant 0 : index
    %get3A_3 = arith.constant 0 : index
    %get3A_4 = vector.load %arg2[%get3A_2, %get3A_3] : memref<128x42xf32, #tpu.memory_space<vmem>>, vector<128x42xf32>
    %dot_general3A = arith.constant dense<0.000000e+00> : vector<1024x42xf32>
    %dot_general3A_5 = tpu.matmul %get3A_1, %get3A_4, %dot_general3A {dimension_numbers = #tpu.dot_dimension_numbers<[1], [0], [0], [1], [0, 0, 1, 1], [], []>, transpose_lhs_hint = false} : vector<1024x128xf32>, vector<128x42xf32>, vector<1024x42xf32> -> vector<1024x42xf32>
    %max3A = arith.constant 0.000000e+00 : f32
    %max3A_6 = vector.broadcast %max3A : f32 to vector<1024x42xf32>
    %max3A_7 = arith.maximumf %dot_general3A_5, %max3A_6 : vector<1024x42xf32>
    %broadcast_in_dim3A = arith.constant 1.000000e+00 : f32
    %broadcast_in_dim3A_8 = vector.broadcast %broadcast_in_dim3A : f32 to vector<1024x1xf32>
    %broadcast_in_dim3A_9 = arith.constant 0.000000e+00 : f32
    %broadcast_in_dim3A_10 = vector.broadcast %broadcast_in_dim3A_9 : f32 to vector<1024x5xf32>
    %concatenate3A = tpu.concatenate %max3A_7, %broadcast_in_dim3A_8, %broadcast_in_dim3A_10 in 1 : vector<1024x42xf32>, vector<1024x1xf32>, vector<1024x5xf32> -> vector<1024x48xf32>
    %swap3A = arith.constant 0 : index
    %swap3A_11 = arith.constant 0 : index
    %swap3A_12 = vector.load %arg3[%swap3A, %swap3A_11] : memref<1024x48xf32, #tpu.memory_space<vmem>>, vector<1024x48xf32>
    tpu.vector_store %arg3[%swap3A, %swap3A_11], %concatenate3A {strides = array<i32>} : memref<1024x48xf32, #tpu.memory_space<vmem>>, vector<1024x48xf32>,
    return
  }
  func.func @transform_0(%arg0: i32) -> (i32, i32) {
    %c0_i32 = arith.constant 0 : i32
    %c0_i32_0 = arith.constant 0 : i32
    return %arg0, %c0_i32 : i32, i32
  }
  func.func @transform_1(%arg0: i32) -> (i32, i32) {
    %c0_i32 = arith.constant 0 : i32
    %c0_i32_0 = arith.constant 0 : i32
    %c0_i32_1 = arith.constant 0 : i32
    return %c0_i32, %c0_i32_0 : i32, i32
  }
  func.func @transform_2(%arg0: i32) -> (i32, i32) {
    %c0_i32 = arith.constant 0 : i32
    %c0_i32_0 = arith.constant 0 : i32
    return %arg0, %c0_i32 : i32, i32
  }
}

module attributes {stable_mosaic.version = 14 : i64} {
  func.func @body(%arg0: i32, %arg1: memref<2x1024x48xf32, #tpu.memory_space<vmem>>, %arg2: memref<42x42xf32, #tpu.memory_space<vmem>>, %arg3: memref<1024x48xf32, #tpu.memory_space<vmem>>) attributes {dimension_semantics = [#tpu.dimension_semantics<arbitrary>], iteration_bounds = array<i64: 10>, scalar_prefetch = 0 : i64, scratch_operands = 0 : i64, tpu.core_type = #tpu.core_type<tc>, window_params = [{transform_indices = @transform_0, window_bounds = array<i64: 2, 1024, 48>}, {pipeline_mode = #tpu.pipeline_mode<synchronous>, transform_indices = @transform_1, window_bounds = array<i64: 42, 42>}, {transform_indices = @transform_2, window_bounds = array<i64: 1024, 48>}]} {
    %get3A = arith.constant 0 : index
    %get3A_0 = arith.constant 0 : index
    %get3A_1 = arith.constant 0 : index
    %get3A_2 = vector.load %arg1[%get3A, %get3A_0, %get3A_1] : memref<2x1024x48xf32, #tpu.memory_space<vmem>>, vector<1x1024x48xf32>
    %get3A_3 = vector.shape_cast %get3A_2 : vector<1x1024x48xf32> to vector<1024x48xf32>
    %get3A_4 = arith.constant 1 : index
    %get3A_5 = arith.constant 0 : index
    %get3A_6 = arith.constant 0 : index
    %get3A_7 = vector.load %arg1[%get3A_4, %get3A_5, %get3A_6] : memref<2x1024x48xf32, #tpu.memory_space<vmem>>, vector<1x1024x48xf32>
    %get3A_8 = vector.shape_cast %get3A_7 : vector<1x1024x48xf32> to vector<1024x48xf32>
    %add3A = arith.addf %get3A_3, %get3A_8 : vector<1024x48xf32>
    %slice3A = vector.extract_strided_slice %add3A {offsets = [0, 42], sizes = [1024, 1], strides = [1, 1]} : vector<1024x48xf32> to vector<1024x1xf32>
    %max3A = arith.constant 1.000000e+00 : f32
    %max3A_9 = vector.broadcast %max3A : f32 to vector<1024x1xf32>
    %max3A_10 = arith.maximumf %slice3A, %max3A_9 : vector<1024x1xf32>
    %div3A = arith.constant 1.000000e+00 : f32
    %div3A_11 = vector.broadcast %div3A : f32 to vector<1024x1xf32>
    %div3A_12 = arith.divf %div3A_11, %max3A_10 : vector<1024x1xf32>
    %slice3A_13 = vector.extract_strided_slice %add3A {offsets = [0, 0], sizes = [1024, 42], strides = [1, 1]} : vector<1024x48xf32> to vector<1024x42xf32>
    %mul3A = vector.broadcast %div3A_12 : vector<1024x1xf32> to vector<1024x42xf32>
    %mul3A_14 = arith.mulf %slice3A_13, %mul3A : vector<1024x42xf32>
    %get3A_15 = arith.constant 0 : index
    %get3A_16 = arith.constant 0 : index
    %get3A_17 = vector.load %arg2[%get3A_15, %get3A_16] : memref<42x42xf32, #tpu.memory_space<vmem>>, vector<42x42xf32>
    %dot_general3A = arith.constant dense<0.000000e+00> : vector<1024x42xf32>
    %dot_general3A_18 = tpu.matmul %mul3A_14, %get3A_17, %dot_general3A {dimension_numbers = #tpu.dot_dimension_numbers<[1], [0], [0], [1], [0, 0, 1, 1], [], []>, transpose_lhs_hint = false} : vector<1024x42xf32>, vector<42x42xf32>, vector<1024x42xf32> -> vector<1024x42xf32>
    %max3A_19 = arith.constant 0.000000e+00 : f32
    %max3A_20 = vector.broadcast %max3A_19 : f32 to vector<1024x42xf32>
    %max3A_21 = arith.maximumf %dot_general3A_18, %max3A_20 : vector<1024x42xf32>
    %broadcast_in_dim3A = arith.constant 1.000000e+00 : f32
    %broadcast_in_dim3A_22 = vector.broadcast %broadcast_in_dim3A : f32 to vector<1024x1xf32>
    %broadcast_in_dim3A_23 = arith.constant 0.000000e+00 : f32
    %broadcast_in_dim3A_24 = vector.broadcast %broadcast_in_dim3A_23 : f32 to vector<1024x5xf32>
    %concatenate3A = tpu.concatenate %max3A_21, %broadcast_in_dim3A_22, %broadcast_in_dim3A_24 in 1 : vector<1024x42xf32>, vector<1024x1xf32>, vector<1024x5xf32> -> vector<1024x48xf32>
    %swap3A = arith.constant 0 : index
    %swap3A_25 = arith.constant 0 : index
    %swap3A_26 = vector.load %arg3[%swap3A, %swap3A_25] : memref<1024x48xf32, #tpu.memory_space<vmem>>, vector<1024x48xf32>
    tpu.vector_store %arg3[%swap3A, %swap3A_25], %concatenate3A {strides = array<i32>} : memref<1024x48xf32, #tpu.memory_space<vmem>>, vector<1024x48xf32>,
    return
  }
  func.func @transform_0(%arg0: i32) -> (i32, i32, i32) {
    %c0_i32 = arith.constant 0 : i32
    %c0_i32_0 = arith.constant 0 : i32
    %c0_i32_1 = arith.constant 0 : i32
    return %c0_i32, %arg0, %c0_i32_0 : i32, i32, i32
  }
  func.func @transform_1(%arg0: i32) -> (i32, i32) {
    %c0_i32 = arith.constant 0 : i32
    %c0_i32_0 = arith.constant 0 : i32
    %c0_i32_1 = arith.constant 0 : i32
    return %c0_i32, %c0_i32_0 : i32, i32
  }
  func.func @transform_2(%arg0: i32) -> (i32, i32) {
    %c0_i32 = arith.constant 0 : i32
    %c0_i32_0 = arith.constant 0 : i32
    return %arg0, %c0_i32 : i32, i32
  }
}

module attributes {stable_mosaic.version = 14 : i64} {
  func.func @body(%arg0: i32, %arg1: memref<1000x48xf32, #tpu.memory_space<vmem>>, %arg2: memref<1000x48xf32, #tpu.memory_space<vmem>>, %arg3: memref<2x1000x48xf32, #tpu.memory_space<vmem>>, %arg4: memref<42x42xf32, #tpu.memory_space<vmem>>, %arg5: memref<1000x126xf32, #tpu.memory_space<vmem>>) attributes {dimension_semantics = [#tpu.dimension_semantics<arbitrary>], iteration_bounds = array<i64: 10>, scalar_prefetch = 0 : i64, scratch_operands = 0 : i64, tpu.core_type = #tpu.core_type<tc>, window_params = [{transform_indices = @transform_0, window_bounds = array<i64: 1000, 48>}, {transform_indices = @transform_1, window_bounds = array<i64: 1000, 48>}, {transform_indices = @transform_2, window_bounds = array<i64: 2, 1000, 48>}, {pipeline_mode = #tpu.pipeline_mode<synchronous>, transform_indices = @transform_3, window_bounds = array<i64: 42, 42>}, {transform_indices = @transform_4, window_bounds = array<i64: 1000, 126>}]} {
    %get3A = arith.constant 0 : index
    %get3A_0 = arith.constant 0 : index
    %get3A_1 = arith.constant 0 : index
    %get3A_2 = vector.load %arg3[%get3A, %get3A_0, %get3A_1] : memref<2x1000x48xf32, #tpu.memory_space<vmem>>, vector<1x1000x48xf32>
    %get3A_3 = vector.shape_cast %get3A_2 : vector<1x1000x48xf32> to vector<1000x48xf32>
    %get3A_4 = arith.constant 1 : index
    %get3A_5 = arith.constant 0 : index
    %get3A_6 = arith.constant 0 : index
    %get3A_7 = vector.load %arg3[%get3A_4, %get3A_5, %get3A_6] : memref<2x1000x48xf32, #tpu.memory_space<vmem>>, vector<1x1000x48xf32>
    %get3A_8 = vector.shape_cast %get3A_7 : vector<1x1000x48xf32> to vector<1000x48xf32>
    %add3A = arith.addf %get3A_3, %get3A_8 : vector<1000x48xf32>
    %slice3A = vector.extract_strided_slice %add3A {offsets = [0, 42], sizes = [1000, 1], strides = [1, 1]} : vector<1000x48xf32> to vector<1000x1xf32>
    %max3A = arith.constant 1.000000e+00 : f32
    %max3A_9 = vector.broadcast %max3A : f32 to vector<1000x1xf32>
    %max3A_10 = arith.maximumf %slice3A, %max3A_9 : vector<1000x1xf32>
    %div3A = arith.constant 1.000000e+00 : f32
    %div3A_11 = vector.broadcast %div3A : f32 to vector<1000x1xf32>
    %div3A_12 = arith.divf %div3A_11, %max3A_10 : vector<1000x1xf32>
    %slice3A_13 = vector.extract_strided_slice %add3A {offsets = [0, 0], sizes = [1000, 42], strides = [1, 1]} : vector<1000x48xf32> to vector<1000x42xf32>
    %mul3A = vector.broadcast %div3A_12 : vector<1000x1xf32> to vector<1000x42xf32>
    %mul3A_14 = arith.mulf %slice3A_13, %mul3A : vector<1000x42xf32>
    %get3A_15 = arith.constant 0 : index
    %get3A_16 = arith.constant 0 : index
    %get3A_17 = vector.load %arg4[%get3A_15, %get3A_16] : memref<42x42xf32, #tpu.memory_space<vmem>>, vector<42x42xf32>
    %dot_general3A = arith.constant dense<0.000000e+00> : vector<1000x42xf32>
    %dot_general3A_18 = tpu.matmul %mul3A_14, %get3A_17, %dot_general3A {dimension_numbers = #tpu.dot_dimension_numbers<[1], [0], [0], [1], [0, 0, 1, 1], [], []>, transpose_lhs_hint = false} : vector<1000x42xf32>, vector<42x42xf32>, vector<1000x42xf32> -> vector<1000x42xf32>
    %max3A_19 = arith.constant 0.000000e+00 : f32
    %max3A_20 = vector.broadcast %max3A_19 : f32 to vector<1000x42xf32>
    %max3A_21 = arith.maximumf %dot_general3A_18, %max3A_20 : vector<1000x42xf32>
    %get3A_22 = arith.constant 0 : index
    %get3A_23 = arith.constant 0 : index
    %get3A_24 = vector.load %arg1[%get3A_22, %get3A_23] : memref<1000x48xf32, #tpu.memory_space<vmem>>, vector<1000x42xf32>
    %get3A_25 = arith.constant 0 : index
    %get3A_26 = arith.constant 0 : index
    %get3A_27 = vector.load %arg2[%get3A_25, %get3A_26] : memref<1000x48xf32, #tpu.memory_space<vmem>>, vector<1000x42xf32>
    %concatenate3A = tpu.concatenate %get3A_24, %get3A_27, %max3A_21 in 1 : vector<1000x42xf32>, vector<1000x42xf32>, vector<1000x42xf32> -> vector<1000x126xf32>
    %swap3A = arith.constant 0 : index
    %swap3A_28 = arith.constant 0 : index
    %swap3A_29 = vector.load %arg5[%swap3A, %swap3A_28] : memref<1000x126xf32, #tpu.memory_space<vmem>>, vector<1000x126xf32>
    tpu.vector_store %arg5[%swap3A, %swap3A_28], %concatenate3A {strides = array<i32>} : memref<1000x126xf32, #tpu.memory_space<vmem>>, vector<1000x126xf32>,
    return
  }
  func.func @transform_0(%arg0: i32) -> (i32, i32) {
    %c0_i32 = arith.constant 0 : i32
    %c0_i32_0 = arith.constant 0 : i32
    return %arg0, %c0_i32 : i32, i32
  }
  func.func @transform_1(%arg0: i32) -> (i32, i32) {
    %c0_i32 = arith.constant 0 : i32
    %c0_i32_0 = arith.constant 0 : i32
    return %arg0, %c0_i32 : i32, i32
  }
  func.func @transform_2(%arg0: i32) -> (i32, i32, i32) {
    %c0_i32 = arith.constant 0 : i32
    %c0_i32_0 = arith.constant 0 : i32
    %c0_i32_1 = arith.constant 0 : i32
    return %c0_i32, %arg0, %c0_i32_0 : i32, i32, i32
  }
  func.func @transform_3(%arg0: i32) -> (i32, i32) {
    %c0_i32 = arith.constant 0 : i32
    %c0_i32_0 = arith.constant 0 : i32
    %c0_i32_1 = arith.constant 0 : i32
    return %c0_i32, %c0_i32_0 : i32, i32
  }
  func.func @transform_4(%arg0: i32) -> (i32, i32) {
    %c0_i32 = arith.constant 0 : i32
    %c0_i32_0 = arith.constant 0 : i32
    return %arg0, %c0_i32 : i32, i32
  }
}

</mosaic_0001>

<sc_bundles>
// kernel: kernel.10.cloned.1.call-start
scs
__scs_entry_jumppad:
0x0: {  	(pc) =	sbr.rel $0x88, $3  }
0x1: {  	(tag) =	ssettag $0x0;
	lr =	simm.s32 $0x1  }
0x2: {  	[smem:$0x3F9C] =	sst lr;
	_ =	strace $0xD0000000  }
0x3: {  	_ = 	snop  }
0x4: {  	_ = 	snop  }
0x5: {  	_ = 	snop  }
0x6: {  	_ = 	snop  }
0x7: {  	_ = 	snop  }
__scs_overlays_trampoline_lowered:
0x8: {  	[smem:$0x3FAB] =	sst s0  }
0x9: {  	[smem:$0x3FAC] =	sst s1  }
0xa: {  	[smem:$0x3FAD] =	sst s2  }
0xb: {  	[smem:$0x3FAE] =	sst s3  }
0xc: {  	[smem:$0x3FAF] =	sst s4  }
0xd: {  	[smem:$0x3FB0] =	sst s5  }
0xe: {  	[smem:$0x3FB1] =	sst s6  }
0xf: {  	[smem:$0x3FB2] =	sst s7  }
0x10: {  	[smem:$0x3FB3] =	sst s8  }
0x11: {  	[smem:$0x3FB4] =	sst s9;
	s0 =	simm.s32 @!p0 $0x0  }
0x12: {  	s1 =	sld [smem:$0x3F9A];
	s0 =	simm.s32 @p0 $0x1  }
0x13: {  	[smem:$0x3FB5] =	sst s0;
	s0 =	simm.s32 @!p1 $0x0  }
0x14: {  	s2 =	sld [smem:$0x3F99];
	s0 =	simm.s32 @p1 $0x1  }
0x15: {  	[smem:$0x3FB6] =	sst s0;
	s0 =	simm.s32 @!p2 $0x0  }
0x16: {  	s3 =	sld [smem:$0x3FDB];
	s0 =	simm.s32 @p2 $0x1  }
0x17: {  	s4 =	simm.s32 $0x1BF5;
	[smem:$0x3FB8] =	sst s0  }
0x18: {  	s0 =	sld [smem:$0x3F9B];
	_ =	swait.ge [sflag:s4], $0x0  }
0x19: {  	s7 =	sld [smem:$0x3F9C]  }
0x1a: {  	s8 =	sadd.s32 $0xFFFFE003, lr  }
0x1b: {  	s9 =	sadd.s32 $0xFFFFFEF7, lr;
	s5 =	simm.s32 $0xFFFFFFFF;
	p2 =	slt.u32 s8, $0xFFFFF086  }
0x1c: {  	p1 =	slt.u32 s9, $0xF7A;
	s5 =	simm.s32 @!p2 $0x0  }
0x1d: {  	s5 =	simm.s32 @p1 $0x1;
	p0 =	seq.s32 s7, s2  }
0x1e: {  	s7 =	smul.u32 @!p0 $0xF7A, s2;
	p2 =	seq.s32 @!p0 s5, $0x0  }
0x1f: {  	s9 =	smul.u32 $0xF7A, s1;
	s8 =	simm.s32 @!p0 $0x1BF5;
	p2 =	por !p2, p0  }
0x20: {  	[sflag:s8] =	ssyncset.s32 @!p0 $0xFFFFF086;
	s6 =	sadd.s32 @!p0 s3, s7;
	s7 =	simm.s32 @!p0 $0x108  }
0x21: {  	s3 =	sadd.s32 s3, s9;
	s6 =	sadd.s32 @!p0 $0x88, s6;
	s7 =	simm.s32 @p2 $0x1082  }
0x22: {  	[simem:s7], [sflag:s8] =	dma.local @!p0 [hbm:s6], $0xF7A  }
0x23: {  	s9 =	sor.u32 $0xD0000000, s2;
	s6 =	simm.s32 $0x108;
	_ =	swait.ge @!p0 [sflag:s8], $0x0  }
0x24: {  	s3 =	sadd.s32 $0x88, s3;
	s6 =	simm.s32 @!p1 $0x1082;
	[sflag:s4] =	ssyncset.s32 $0xFFFFF086  }
0x25: {  	[simem:s6], [sflag:s4] =	dma.local [hbm:s3], $0xF7A  }
0x26: {  	[smem:$0x3F9C] =	sst s1;
	(tag) =	ssettag s2;
	_ =	strace s9  }
0x27: {  	s1 =	sld [smem:$0x3FAC]  }
0x28: {  	s2 =	sld [smem:$0x3FAD]  }
0x29: {  	s4 =	sld [smem:$0x3FAF]  }
0x2a: {  	p0 =	seq.s32 s5, $0x0;
	s5 =	sld [smem:$0x3FB0]  }
0x2b: {  	s6 =	sld [smem:$0x3FB1]  }
0x2c: {  	s7 =	sld [smem:$0x3FB2]  }
0x2d: {  	s3 =	simm.s32 $0x108;
	s8 =	sld [smem:$0x3FB3]  }
0x2e: {  	s3 =	simm.s32 @!p0 $0x1082;
	s9 =	sld [smem:$0x3FB4]  }
0x2f: {  	lr =	sadd.s32 s0, s3;
	s0 =	sld [smem:$0x3FAB]  }
0x30: {  	s3 =	sld [smem:$0x3FAE]  }
0x31: {  	[smem:$0x3FB7] =	sst s10  }
0x32: {  	s10 =	sld [smem:$0x3FB5];
	_ =	sdelay $0x3  }
0x33: {  	p0 =	seq.s32 s10, $0x1;
	s10 =	sld [smem:$0x3FB7];
	_ =	sdelay $0x3  }
0x34: {  	[smem:$0x3FB7] =	sst s10  }
0x35: {  	s10 =	sld [smem:$0x3FB6];
	_ =	sdelay $0x3  }
0x36: {  	p1 =	seq.s32 s10, $0x1;
	s10 =	sld [smem:$0x3FB7];
	_ =	sdelay $0x3  }
0x37: {  	[smem:$0x3FB7] =	sst s10  }
0x38: {  	s10 =	sld [smem:$0x3FB8]  }
0x39: {  	_ = 	snop;
	(pc) =	sbr.ind lr, $3  }
0x3a: {  	_ = 	snop  }
0x3b: {  	_ = 	snop  }
0x3c: {  	p2 =	seq.s32 s10, $0x1;
	s10 =	sld [smem:$0x3FB7]  }
0x3d: {  	_ =	shalt  }
0x3e: {  	_ =	shalt  }
0x3f: {  	_ =	shalt  }
0x40: {  	_ =	shalt  }
0x41: {  	_ =	shalt  }
0x42: {  	_ =	shalt  }
0x43: {  	_ =	shalt  }
0x44: {  	_ =	shalt  }
0x45: {  	_ =	shalt  }
0x46: {  	_ =	shalt  }
0x47: {  	_ =	shalt  }
0x48: {  	_ =	shalt  }
0x49: {  	_ =	shalt  }
0x4a: {  	_ =	shalt  }
0x4b: {  	_ =	shalt  }
0x4c: {  	_ =	shalt  }
0x4d: {  	_ =	shalt  }
0x4e: {  	_ =	shalt  }
0x4f: {  	_ =	shalt  }
0x50: {  	_ =	shalt  }
0x51: {  	_ =	shalt  }
0x52: {  	_ =	shalt  }
0x53: {  	_ =	shalt  }
0x54: {  	_ =	shalt  }
0x55: {  	_ =	shalt  }
0x56: {  	_ =	shalt  }
0x57: {  	_ =	shalt  }
0x58: {  	_ =	shalt  }
0x59: {  	_ =	shalt  }
0x5a: {  	_ =	shalt  }
0x5b: {  	_ =	shalt  }
0x5c: {  	_ =	shalt  }
0x5d: {  	_ =	shalt  }
0x5e: {  	_ =	shalt  }
0x5f: {  	_ =	shalt  }
0x60: {  	_ =	shalt  }
0x61: {  	_ =	shalt  }
0x62: {  	_ =	shalt  }
0x63: {  	_ =	shalt  }
0x64: {  	_ =	shalt  }
0x65: {  	_ =	shalt  }
0x66: {  	_ =	shalt  }
0x67: {  	_ =	shalt  }
0x68: {  	_ =	shalt  }
0x69: {  	_ =	shalt  }
0x6a: {  	_ =	shalt  }
0x6b: {  	_ =	shalt  }
0x6c: {  	_ =	shalt  }
0x6d: {  	_ =	shalt  }
0x6e: {  	_ =	shalt  }
0x6f: {  	_ =	shalt  }
0x70: {  	_ =	shalt  }
0x71: {  	_ =	shalt  }
0x72: {  	_ =	shalt  }
0x73: {  	_ =	shalt  }
0x74: {  	_ =	shalt  }
0x75: {  	_ =	shalt  }
0x76: {  	_ =	shalt  }
0x77: {  	_ =	shalt  }
0x78: {  	_ =	shalt  }
0x79: {  	_ =	shalt  }
0x7a: {  	_ =	shalt  }
0x7b: {  	_ =	shalt  }
0x7c: {  	_ =	shalt  }
0x7d: {  	_ =	shalt  }
0x7e: {  	_ =	shalt  }
0x7f: {  	_ =	shalt  }
0x80: {  	_ =	shalt  }
0x81: {  	_ =	shalt  }
0x82: {  	_ =	shalt  }
0x83: {  	_ =	shalt  }
0x84: {  	_ =	shalt  }
0x85: {  	_ =	shalt  }
0x86: {  	_ =	shalt  }
0x87: {  	_ =	shalt  }
.Lfunc_end0:
.L_simem_size_0:
called_computation.1_lowered:
.L_overlay_start_0:
0x88: {  	s2 =	sld [smem:$0x3FD9]  }
0x89: {  	s3 =	sld [smem:$0x3FFE];
	_ =	sdelay $0x1  }
0x8a: {  	s1 =	srdreg.scid  }
0x8b: {  	s0 =	sand.u32 $0x1, s1  }
0x8c: {  	s17 =	sshll.u32 s0, $0xA;
	s2 =	sadd.s32 s3, s2  }
0x8d: {  	s2 =	sadd.s32 s2, s17  }
0x8e: {  	[smem:$0x3FC3] =	sst s2  }
0x8f: {  	_ = 	snop  }
0x90: {  	s2 =	sld [smem:$0x3FD0];
	(tm) =	ssettm $0x1  }
0x91: {  	s18 =	sld [smem:$0x3FFB];
	_ =	sdelay $0x3  }
0x92: {  	_ =	strace s18  }
0x93: {  	s3 =	sld [smem:$0x3FFC];
	_ =	sdelay $0x3  }
0x94: {  	_ =	strace s3  }
0x95: {  	s3 =	sld [smem:$0x3FFD];
	_ =	sdelay $0x3  }
0x96: {  	_ =	strace s3  }
0x97: {  	_ =	strace $0x8FFFFFFF  }
0x98: {  	s19 =	sld [smem:$0x3FDB];
	_ =	sdelay $0x1  }
0x99: {  	s4 =	simm.s32 $_scs_section_size  }
0x9a: {  	s5 =	simm.s32 $_size__tile_overlayer_lowered;
	s6 =	simm.s32 $_tile_overlayer_lowered  }
0x9b: {  	s22 =	simm.s32 $0x1BFF;
	s21 =	sshll.u32 s6, $0x1;
	s3 =	sadd.s32 s4, s19  }
0x9c: {  	s7 =	simm.s32 $0x0;
	s20 =	sshll.u32 s5, $0x1;
	s5 =	sadd.s32 s21, s3  }
0x9d: {  	[timem:s7], [sflag:s22] =	dma.local [hbm:s5], s20  }
0x9e: {  	_ =	swait.ge [sflag:s22], s20  }
0x9f: {  	s4 =	ssub.s32 $0x0, s20;
	[sflag:s22] =	ssyncset.done $0x0  }
0xa0: {  	[sflag:s22] =	ssyncadd.s32 s4;
	_ =	sdelay $0x1  }
0xa1: {  	s23 =	simm.s32 $0x1B8B  }
0xa2: {  	_ =	swait.ge [sflag:s23], $0x1  }
0xa3: {  	[sflag:s23] =	ssyncset.done $0x0  }
0xa4: {  	s25 =	simm.s32 $0x1B8E;
	s24 =	sld [smem:$0x3FFE];
	[sflag:s23] =	ssyncadd.s32 $0xFFFFFFFF  }
0xa5: {  	s26 =	simm.s32 $execute0_lowered;
	[smem:$0x3FD2] =	sst s25  }
0xa6: {  	s5 =	sshll.u32 s26, $0x1;
	_ =	strace $0x80000049;
	[dreg:$0x1] =	wrdreg $0xFFFFFFFF  }
0xa7: {  	s28 =	simm.s32 $_size_execute0_lowered;
	s3 =	sadd.s32 s3, s5;
	[dreg:$0x0] =	wrdreg $0x0  }
0xa8: {  	s5 =	sshll.u32 s28, $0x1;
	[dreg:$0x2] =	wrdreg s3  }
0xa9: {  	[dreg:$0x3] =	wrdreg s5  }
0xaa: {  	[dreg:$0x4] =	wrdreg $0xC0  }
0xab: {  	_ =	task [dreg:s7], $0x5FFFF  }
0xac: {  	[dreg:$0x1] =	wrdreg $0xFFFFFFFF  }
0xad: {  	[dreg:$0x0] =	wrdreg $0x60  }
0xae: {  	[dreg:$0x2] =	wrdreg s24  }
0xaf: {  	[dreg:$0x3] =	wrdreg s2  }
0xb0: {  	[dreg:$0x4] =	wrdreg $0xDD800  }
0xb1: {  	[dreg:$0x5] =	wrdreg $0x67000  }
0xb2: {  	[dreg:$0x6] =	wrdreg $0x9  }
0xb3: {  	_ =	task.clear_ibuf [dreg:s7], $0x7FFFF;
	_ =	strace $0x90000049  }
0xb4: {  	s29 =	simm.s32 $0x9;
	_ =	strace $0x8000004B  }
0xb5: {  	_ =	swait.ge [sflag:s29], $0x1  }
0xb6: {  	[sflag:s29] =	ssyncadd.s32 $0xFFFFFFFF  }
0xb7: {  	_ =	strace $0x9000004B  }
0xb8: {  	_ =	sfence  }
0xb9: {  	s30 =	sld [smem:$0x0];
	_ =	sdelay $0x2  }
0xba: {  	s31 =	sshll.u32 s1, $0xD;
	s1 =	sshrl.u32 s1, $0x2  }
0xbb: {  	s3 =	sand.u32 $0x4000, s31;
	s1 =	sadd.s32 s1, s30  }
0xbc: {  	s0 =	sor.u32 s3, s0;
	s1 =	sshll.u32 s1, $0x11  }
0xbd: {  	s0 =	sor.u32 s1, s0  }
0xbe: {  	s0 =	sadd.s32 $0x8F2B, s0  }
0xbf: {  	[sflag:s0] =	ssyncadd.remote.s32 $0x1  }
0xc0: {  	_ =	sfence.sel $0xFFFF  }
0xc1: {  	[dreg:$0x0] =	wrdreg $0xFFFFFFFF;
	(pc) =	sbr.abs _section_cstart, $3  }
0xc2: {  	[dreg:$0x1] =	wrdreg $0xFFFFFFFF  }
0xc3: {  	_ =	task.clear_ibuf [dreg:s7], $0x2FFFF;
	_ =	strace $0x9FFFFFFF  }
0xc4: {  	(tm) =	ssettm $0x7FFFFFFF  }
0xc5: {  	_ =	shalt  }
tec
execute0_lowered:
.L_overlay_start_1:
0x0: {  	(tag) =	ssettag $0x1  }
0x1: {  	s5 =	rddreg [dreg:$0x0]  }
0x2: {  	s10 =	rddreg [dreg:$0x1]  }
0x3: {  	s2 =	rddreg [dreg:$0x2]  }
0x4: {  	s3 =	rddreg [dreg:$0x3];
	s1 =	stileid.u32  }
0x5: {  	s4 =	srdreg.scid;
	s0 =	rddreg [dreg:$0x4];
	s16 =	simm.s32 $0x1  }
0x6: {  	s17 =	simm.s32 $0x80;
	s18 =	simm.s32 $0x4F00;
	s19 =	simm.s32 $0x3  }
0x7: {  	s21 =	simm.s32 $0x0;
	s6 =	sand.u32 $0x1, s4;
	s7 =	sshll.u32 s1, $0x1  }
0x8: {  	s4 =	simm.s32 $0x0;
	s11 =	smul.u32 $0x7680, s1;
	s20 =	sshll.u32 s1, $0x6  }
0x9: {  	s7 =	sor.u32 s6, s7;
	[smem:$0x7FF] =	sst s4;
	s30 =	smul.u32 $0x76800, s6  }
0xa: {  	s9 =	ssub.s32 $0x2, s6;
	s7 =	smul.u32 $0x4F0, s7;
	_ =	strace $0x8000004A  }
0xb: {  	s8 =	sshrl.u32 s11, $0x3;
	s12 =	sshrl.u32 s9, $0x1;
	s13 =	sadd.s32 s11, s2  }
0xc: {  	s15 =	sadd.s32 s11, s3;
	s8 =	sadd.s32 s8, s5;
	s12 =	ssub.s32 s9, s12  }
0xd: {  	s14 =	sadd.s32 s11, s30;
	s9 =	sor.u32 $0x1C01, s20;
	s13 =	sshrl.u32 s13, $0x3  }
0xe: {  	s20 =	sor.u32 $0x1C03, s20;
	s7 =	sadd.s32 s7, s5;
	s5 =	sadd.s32 $0x23600, s5  }
0xf: {  	s8 =	sadd.s32 $0x14800, s8;
	s31 =	sshrl.u32 s14, $0x3;
	s11 =	smax.u32 s12, $0x1  }
0x10: {  	s12 =	simm.s32 $0x2780;
	s14 =	sshrl.u32 s15, $0x3;
	s15 =	simm.s32 $0x2  }
0x11: {  	s6 =	sadd.s32 $0xAA00, s7;
	s7 =	sadd.s32 $0xC00, s7;
	s10 =	sadd.s32 s10, s31  }
.LBB2_1:
0x12: {  	[tilespmem:s4], [sflag:$0x2] =	stream.linear.gather [hbm4b:s6+s4], $0x2780, $0x38;
	[tilespmem:$0x15400] =	vst v63  }
0x13: {  	_ = 	snop  }
0x14: {  	[tilespmem:s12], [sflag:$0x2] =	stream.linear.gather [hbm4b:s7+s4], $0x2780, $0x38;
	[tilespmem:$0x15400] =	vst v63  }
0x15: {  	[spmem:s13], [sflag:s9] =	dma.local [hbm:s8], $0xED0  }
0x16: {  	[spmem:s14], [sflag:s9] =	dma.local [hbm:s5], $0xED0  }
0x17: {  	_ =	swait.ge [sflag:s15], $0x2780  }
0x18: {  	[sflag:s15] =	ssyncset.done $0x0  }
0x19: {  	[sflag:s15] =	ssyncadd.s32 $0xFFFFD880  }
0x1a: {  	_ =	swait.ge [sflag:s15], $0x2780  }
0x1b: {  	[sflag:s15] =	ssyncset.done $0x0  }
0x1c: {  	[sflag:s15] =	ssyncadd.s32 $0xFFFFD880  }
0x1d: {  	_ =	swait.ge [sflag:s16], $0xED0  }
0x1e: {  	[sflag:s16] =	ssyncset.done $0x0  }
0x1f: {  	[sflag:s16] =	ssyncadd.s32 $0xFFFFF130  }
0x20: {  	_ =	swait.ge [sflag:s16], $0xED0  }
0x21: {  	[sflag:s16] =	ssyncset.done $0x0  }
0x22: {  	[sflag:s16] =	ssyncadd.s32 $0xFFFFF130  }
0x23: {  	s22 =	simm.s32 $0x0;
	[bflag:$0x0] =	sbarrier.arrive $0xFFFF  }
0x24: {  	[tilespmem:s18], [sflag:$0x1] =	stream.indirect.gather [spmem:s2], $0x30, s22, s17, $0xb8;
	[tilespmem:$0x15400] =	vst v63  }
0x25: {  	_ =	swait.ge [sflag:s16], $0x1800  }
0x26: {  	[sflag:s16] =	ssyncset.done $0x0  }
0x27: {  	s31 =	simm.s32 $0x2780;
	[sflag:s16] =	ssyncadd.s32 $0xFFFFE800  }
0x28: {  	[spmem:s3] =	stream.indirect.scatter.add.f32 [tilespmem:s18], [sflag:$0x3], $0x30, s31, s17, $0xb8;
	[tilespmem:$0x15400] =	vst v63  }
0x29: {  	_ =	swait.ge [sflag:s19], $0x1800  }
0x2a: {  	s23 =	simm.s32 $0x400;
	s22 =	simm.s32 $0x200;
	[sflag:s19] =	ssyncset.done $0x0  }
.LBB2_2:
0x2b: {  	s24 =	sshra.s32 s22, $0x2  }
0x2c: {  	[sflag:s19] =	ssyncadd.s32 $0xFFFFE800;
	s22 =	smov.u32 s23;
	s25 =	sadd.s32 $0x200, s23  }
0x2d: {  	[tilespmem:s18], [sflag:$0x1] =	stream.indirect.gather [spmem:s2], $0x30, s24, s17, $0xb8;
	[tilespmem:$0x15400] =	vst v63  }
0x2e: {  	p0 =	sne.s32 s23, $0x9C00;
	_ =	swait.ge [sflag:s16], $0x1800  }
.Ltmp0:
0x2f: {  	[sflag:s16] =	ssyncset.done $0x0;
	(pc) =	sbr.rel @p0 .LBB2_2-.Ltmp0, $4  }
0x30: {  	s23 =	sadd.s32 $0x2780, s24;
	[sflag:s16] =	ssyncadd.s32 $0xFFFFE800  }
0x31: {  	[spmem:s3] =	stream.indirect.scatter.add.f32 [tilespmem:s18], [sflag:$0x3], $0x30, s23, s17, $0xb8;
	[tilespmem:$0x15400] =	vst v63  }
0x32: {  	_ =	swait.ge [sflag:s19], $0x1800  }
0x33: {  	s23 =	smov.u32 s25;
	[sflag:s19] =	ssyncset.done $0x0  }
0x34: {  	s22 =	sshra.s32 s22, $0x2;
	[sflag:s19] =	ssyncadd.s32 $0xFFFFE800  }
0x35: {  	[tilespmem:s18], [sflag:$0x1] =	stream.indirect.gather [spmem:s2], $0x30, s22, s17, $0xb8;
	[tilespmem:$0x15400] =	vst v63  }
0x36: {  	_ =	swait.ge [sflag:s16], $0x1800  }
0x37: {  	[sflag:s16] =	ssyncset.done $0x0  }
0x38: {  	s22 =	sadd.s32 $0x2780, s22;
	[sflag:s16] =	ssyncadd.s32 $0xFFFFE800  }
0x39: {  	[spmem:s3] =	stream.indirect.scatter.add.f32 [tilespmem:s18], [sflag:$0x3], $0x30, s22, s17, $0xb8;
	[tilespmem:$0x15400] =	vst v63  }
0x3a: {  	_ =	swait.ge [sflag:s19], $0x1800  }
0x3b: {  	s21 =	sadd.s32 $0x1, s21;
	[sflag:s19] =	ssyncset.done $0x0  }
0x3c: {  	p0 =	sne.s32 s21, s11;
	[sflag:s19] =	ssyncadd.s32 $0xFFFFE800  }
.Ltmp1:
0x3d: {  	[bflag:$0x0] =	sbarrier.arrive $0xFFFF;
	(pc) =	sbr.rel @p0 .LBB2_1-.Ltmp1, $4  }
0x3e: {  	[hbm:s10], [sflag:s20] =	dma.local [spmem:s14], $0xED0  }
0x3f: {  	_ =	swait.ge [sflag:s19], $0xED0  }
0x40: {  	[sflag:s19] =	ssyncset.done $0x0  }
0x41: {  	[sflag:s19] =	ssyncadd.s32 $0xFFFFF130  }
0x42: {  	_ =	sfence.sel $0x180000  }
0x43: {  	[bflag:$0x0] =	sbarrier.arrive $0xFFFF  }
0x44: {  	p0 =	sne.s32 s1, $0x0;
	_ =	strace $0x9000004A  }
0x45: {  	s0 =	sadd.s32 @!p0 $0x100000, s0;
	[bflag:$0x2] =	sbarrier.arrive $0xFFFF  }
0x46: {  	[sflag:s0] =	ssyncadd.tile.s32 @!p0 $0x1;
	_ =	shalt  }
.Lfunc_end2:
_tile_overlayer_lowered:
.L_overlay_start_2:
0x47: {  	(tag) =	ssettag $0x2  }
0x48: {  	s0 =	rddreg [dreg:$0x0];
	s2 =	stileid.u32  }
0x49: {  	s1 =	rddreg [dreg:$0x1];
	p0 =	sne.s32 s2, $0x0  }
0x4a: {  	s3 =	rddreg [dreg:$0x2];
	[bflag:$0x3] =	sbarrier.arrive $0xFFFF;
	s2 =	simm.s32 @!p0 $0x1C03  }
0x4b: {  	[timem:s3], [sflag:s2] =	dma.local @!p0 [hbm:s0], s1  }
0x4c: {  	s0 =	simm.s32 @!p0 $0x3  }
0x4d: {  	_ =	swait.ge @!p0 [sflag:s0], s1  }
0x4e: {  	s1 =	ssub.s32 @!p0 $0x0, s1;
	[sflag:s0] =	ssyncset.done @!p0 $0x0  }
0x4f: {  	[sflag:s0] =	ssyncadd.s32 @!p0 s1  }
0x50: {  	[bflag:$0x3] =	sbarrier.arrive $0xFFFF  }
0x51: {  	_ =	shalt  }

// kernel: kernel.7.cloned.1.call-start
scs
__scs_entry_jumppad:
0x0: {  	(pc) =	sbr.rel $0x88, $3  }
0x1: {  	(tag) =	ssettag $0x0;
	lr =	simm.s32 $0x1  }
0x2: {  	[smem:$0x3F9C] =	sst lr;
	_ =	strace $0xD0000000  }
0x3: {  	_ = 	snop  }
0x4: {  	_ = 	snop  }
0x5: {  	_ = 	snop  }
0x6: {  	_ = 	snop  }
0x7: {  	_ = 	snop  }
__scs_overlays_trampoline_lowered:
0x8: {  	[smem:$0x3FAB] =	sst s0  }
0x9: {  	[smem:$0x3FAC] =	sst s1  }
0xa: {  	[smem:$0x3FAD] =	sst s2  }
0xb: {  	[smem:$0x3FAE] =	sst s3  }
0xc: {  	[smem:$0x3FAF] =	sst s4  }
0xd: {  	[smem:$0x3FB0] =	sst s5  }
0xe: {  	[smem:$0x3FB1] =	sst s6  }
0xf: {  	[smem:$0x3FB2] =	sst s7  }
0x10: {  	[smem:$0x3FB3] =	sst s8  }
0x11: {  	[smem:$0x3FB4] =	sst s9;
	s0 =	simm.s32 @!p0 $0x0  }
0x12: {  	s1 =	sld [smem:$0x3F9A];
	s0 =	simm.s32 @p0 $0x1  }
0x13: {  	[smem:$0x3FB5] =	sst s0;
	s0 =	simm.s32 @!p1 $0x0  }
0x14: {  	s2 =	sld [smem:$0x3F99];
	s0 =	simm.s32 @p1 $0x1  }
0x15: {  	[smem:$0x3FB6] =	sst s0;
	s0 =	simm.s32 @!p2 $0x0  }
0x16: {  	s3 =	sld [smem:$0x3FDB];
	s0 =	simm.s32 @p2 $0x1  }
0x17: {  	s4 =	simm.s32 $0x1BF5;
	[smem:$0x3FB8] =	sst s0  }
0x18: {  	s0 =	sld [smem:$0x3F9B];
	_ =	swait.ge [sflag:s4], $0x0  }
0x19: {  	s7 =	sld [smem:$0x3F9C]  }
0x1a: {  	s8 =	sadd.s32 $0xFFFFE003, lr  }
0x1b: {  	s9 =	sadd.s32 $0xFFFFFEF7, lr;
	s5 =	simm.s32 $0xFFFFFFFF;
	p2 =	slt.u32 s8, $0xFFFFF086  }
0x1c: {  	p1 =	slt.u32 s9, $0xF7A;
	s5 =	simm.s32 @!p2 $0x0  }
0x1d: {  	s5 =	simm.s32 @p1 $0x1;
	p0 =	seq.s32 s7, s2  }
0x1e: {  	s7 =	smul.u32 @!p0 $0xF7A, s2;
	p2 =	seq.s32 @!p0 s5, $0x0  }
0x1f: {  	s9 =	smul.u32 $0xF7A, s1;
	s8 =	simm.s32 @!p0 $0x1BF5;
	p2 =	por !p2, p0  }
0x20: {  	[sflag:s8] =	ssyncset.s32 @!p0 $0xFFFFF086;
	s6 =	sadd.s32 @!p0 s3, s7;
	s7 =	simm.s32 @!p0 $0x108  }
0x21: {  	s3 =	sadd.s32 s3, s9;
	s6 =	sadd.s32 @!p0 $0x88, s6;
	s7 =	simm.s32 @p2 $0x1082  }
0x22: {  	[simem:s7], [sflag:s8] =	dma.local @!p0 [hbm:s6], $0xF7A  }
0x23: {  	s9 =	sor.u32 $0xD0000000, s2;
	s6 =	simm.s32 $0x108;
	_ =	swait.ge @!p0 [sflag:s8], $0x0  }
0x24: {  	s3 =	sadd.s32 $0x88, s3;
	s6 =	simm.s32 @!p1 $0x1082;
	[sflag:s4] =	ssyncset.s32 $0xFFFFF086  }
0x25: {  	[simem:s6], [sflag:s4] =	dma.local [hbm:s3], $0xF7A  }
0x26: {  	[smem:$0x3F9C] =	sst s1;
	(tag) =	ssettag s2;
	_ =	strace s9  }
0x27: {  	s1 =	sld [smem:$0x3FAC]  }
0x28: {  	s2 =	sld [smem:$0x3FAD]  }
0x29: {  	s4 =	sld [smem:$0x3FAF]  }
0x2a: {  	p0 =	seq.s32 s5, $0x0;
	s5 =	sld [smem:$0x3FB0]  }
0x2b: {  	s6 =	sld [smem:$0x3FB1]  }
0x2c: {  	s7 =	sld [smem:$0x3FB2]  }
0x2d: {  	s3 =	simm.s32 $0x108;
	s8 =	sld [smem:$0x3FB3]  }
0x2e: {  	s3 =	simm.s32 @!p0 $0x1082;
	s9 =	sld [smem:$0x3FB4]  }
0x2f: {  	lr =	sadd.s32 s0, s3;
	s0 =	sld [smem:$0x3FAB]  }
0x30: {  	s3 =	sld [smem:$0x3FAE]  }
0x31: {  	[smem:$0x3FB7] =	sst s10  }
0x32: {  	s10 =	sld [smem:$0x3FB5];
	_ =	sdelay $0x3  }
0x33: {  	p0 =	seq.s32 s10, $0x1;
	s10 =	sld [smem:$0x3FB7];
	_ =	sdelay $0x3  }
0x34: {  	[smem:$0x3FB7] =	sst s10  }
0x35: {  	s10 =	sld [smem:$0x3FB6];
	_ =	sdelay $0x3  }
0x36: {  	p1 =	seq.s32 s10, $0x1;
	s10 =	sld [smem:$0x3FB7];
	_ =	sdelay $0x3  }
0x37: {  	[smem:$0x3FB7] =	sst s10  }
0x38: {  	s10 =	sld [smem:$0x3FB8]  }
0x39: {  	_ = 	snop;
	(pc) =	sbr.ind lr, $3  }
0x3a: {  	_ = 	snop  }
0x3b: {  	_ = 	snop  }
0x3c: {  	p2 =	seq.s32 s10, $0x1;
	s10 =	sld [smem:$0x3FB7]  }
0x3d: {  	_ =	shalt  }
0x3e: {  	_ =	shalt  }
0x3f: {  	_ =	shalt  }
0x40: {  	_ =	shalt  }
0x41: {  	_ =	shalt  }
0x42: {  	_ =	shalt  }
0x43: {  	_ =	shalt  }
0x44: {  	_ =	shalt  }
0x45: {  	_ =	shalt  }
0x46: {  	_ =	shalt  }
0x47: {  	_ =	shalt  }
0x48: {  	_ =	shalt  }
0x49: {  	_ =	shalt  }
0x4a: {  	_ =	shalt  }
0x4b: {  	_ =	shalt  }
0x4c: {  	_ =	shalt  }
0x4d: {  	_ =	shalt  }
0x4e: {  	_ =	shalt  }
0x4f: {  	_ =	shalt  }
0x50: {  	_ =	shalt  }
0x51: {  	_ =	shalt  }
0x52: {  	_ =	shalt  }
0x53: {  	_ =	shalt  }
0x54: {  	_ =	shalt  }
0x55: {  	_ =	shalt  }
0x56: {  	_ =	shalt  }
0x57: {  	_ =	shalt  }
0x58: {  	_ =	shalt  }
0x59: {  	_ =	shalt  }
0x5a: {  	_ =	shalt  }
0x5b: {  	_ =	shalt  }
0x5c: {  	_ =	shalt  }
0x5d: {  	_ =	shalt  }
0x5e: {  	_ =	shalt  }
0x5f: {  	_ =	shalt  }
0x60: {  	_ =	shalt  }
0x61: {  	_ =	shalt  }
0x62: {  	_ =	shalt  }
0x63: {  	_ =	shalt  }
0x64: {  	_ =	shalt  }
0x65: {  	_ =	shalt  }
0x66: {  	_ =	shalt  }
0x67: {  	_ =	shalt  }
0x68: {  	_ =	shalt  }
0x69: {  	_ =	shalt  }
0x6a: {  	_ =	shalt  }
0x6b: {  	_ =	shalt  }
0x6c: {  	_ =	shalt  }
0x6d: {  	_ =	shalt  }
0x6e: {  	_ =	shalt  }
0x6f: {  	_ =	shalt  }
0x70: {  	_ =	shalt  }
0x71: {  	_ =	shalt  }
0x72: {  	_ =	shalt  }
0x73: {  	_ =	shalt  }
0x74: {  	_ =	shalt  }
0x75: {  	_ =	shalt  }
0x76: {  	_ =	shalt  }
0x77: {  	_ =	shalt  }
0x78: {  	_ =	shalt  }
0x79: {  	_ =	shalt  }
0x7a: {  	_ =	shalt  }
0x7b: {  	_ =	shalt  }
0x7c: {  	_ =	shalt  }
0x7d: {  	_ =	shalt  }
0x7e: {  	_ =	shalt  }
0x7f: {  	_ =	shalt  }
0x80: {  	_ =	shalt  }
0x81: {  	_ =	shalt  }
0x82: {  	_ =	shalt  }
0x83: {  	_ =	shalt  }
0x84: {  	_ =	shalt  }
0x85: {  	_ =	shalt  }
0x86: {  	_ =	shalt  }
0x87: {  	_ =	shalt  }
.Lfunc_end0:
.L_simem_size_0:
called_computation_lowered:
.L_overlay_start_0:
0x88: {  	s2 =	sld [smem:$0x3FD9]  }
0x89: {  	s3 =	sld [smem:$0x3FFE];
	_ =	sdelay $0x1  }
0x8a: {  	s1 =	srdreg.scid  }
0x8b: {  	s0 =	sand.u32 $0x1, s1  }
0x8c: {  	s17 =	sshll.u32 s0, $0xA;
	s2 =	sadd.s32 s3, s2  }
0x8d: {  	s2 =	sadd.s32 s2, s17  }
0x8e: {  	[smem:$0x3FC3] =	sst s2  }
0x8f: {  	_ = 	snop  }
0x90: {  	s2 =	sld [smem:$0x3FD0];
	(tm) =	ssettm $0x1  }
0x91: {  	s18 =	sld [smem:$0x3FFB];
	_ =	sdelay $0x3  }
0x92: {  	_ =	strace s18  }
0x93: {  	s3 =	sld [smem:$0x3FFC];
	_ =	sdelay $0x3  }
0x94: {  	_ =	strace s3  }
0x95: {  	s3 =	sld [smem:$0x3FFD];
	_ =	sdelay $0x3  }
0x96: {  	_ =	strace s3  }
0x97: {  	_ =	strace $0x8FFFFFFF  }
0x98: {  	s19 =	sld [smem:$0x3FDB];
	_ =	sdelay $0x1  }
0x99: {  	s4 =	simm.s32 $_scs_section_size  }
0x9a: {  	s5 =	simm.s32 $_size__tile_overlayer_lowered;
	s6 =	simm.s32 $_tile_overlayer_lowered  }
0x9b: {  	s22 =	simm.s32 $0x1BFF;
	s21 =	sshll.u32 s6, $0x1;
	s3 =	sadd.s32 s4, s19  }
0x9c: {  	s7 =	simm.s32 $0x0;
	s20 =	sshll.u32 s5, $0x1;
	s5 =	sadd.s32 s21, s3  }
0x9d: {  	[timem:s7], [sflag:s22] =	dma.local [hbm:s5], s20  }
0x9e: {  	_ =	swait.ge [sflag:s22], s20  }
0x9f: {  	s4 =	ssub.s32 $0x0, s20;
	[sflag:s22] =	ssyncset.done $0x0  }
0xa0: {  	[sflag:s22] =	ssyncadd.s32 s4;
	_ =	sdelay $0x1  }
0xa1: {  	s23 =	simm.s32 $0x1B8B  }
0xa2: {  	_ =	swait.ge [sflag:s23], $0x1  }
0xa3: {  	[sflag:s23] =	ssyncset.done $0x0  }
0xa4: {  	s25 =	simm.s32 $0x1B8E;
	s24 =	sld [smem:$0x3FFE];
	[sflag:s23] =	ssyncadd.s32 $0xFFFFFFFF  }
0xa5: {  	s26 =	simm.s32 $execute0_lowered;
	[smem:$0x3FD2] =	sst s25  }
0xa6: {  	s5 =	sshll.u32 s26, $0x1;
	_ =	strace $0x80000046;
	[dreg:$0x1] =	wrdreg $0xFFFFFFFF  }
0xa7: {  	s28 =	simm.s32 $_size_execute0_lowered;
	s3 =	sadd.s32 s3, s5;
	[dreg:$0x0] =	wrdreg $0x0  }
0xa8: {  	s5 =	sshll.u32 s28, $0x1;
	[dreg:$0x2] =	wrdreg s3  }
0xa9: {  	[dreg:$0x3] =	wrdreg s5  }
0xaa: {  	[dreg:$0x4] =	wrdreg $0xC0  }
0xab: {  	_ =	task [dreg:s7], $0x5FFFF  }
0xac: {  	[dreg:$0x1] =	wrdreg $0xFFFFFFFF  }
0xad: {  	[dreg:$0x0] =	wrdreg $0x60  }
0xae: {  	[dreg:$0x2] =	wrdreg s24  }
0xaf: {  	[dreg:$0x3] =	wrdreg s2  }
0xb0: {  	[dreg:$0x4] =	wrdreg $0xDD800  }
0xb1: {  	[dreg:$0x5] =	wrdreg $0x67000  }
0xb2: {  	[dreg:$0x6] =	wrdreg $0x9  }
0xb3: {  	_ =	task.clear_ibuf [dreg:s7], $0x7FFFF;
	_ =	strace $0x90000046  }
0xb4: {  	s29 =	simm.s32 $0x9;
	_ =	strace $0x80000048  }
0xb5: {  	_ =	swait.ge [sflag:s29], $0x1  }
0xb6: {  	[sflag:s29] =	ssyncadd.s32 $0xFFFFFFFF  }
0xb7: {  	_ =	strace $0x90000048  }
0xb8: {  	_ =	sfence  }
0xb9: {  	s30 =	sld [smem:$0x0];
	_ =	sdelay $0x2  }
0xba: {  	s31 =	sshll.u32 s1, $0xD;
	s1 =	sshrl.u32 s1, $0x2  }
0xbb: {  	s3 =	sand.u32 $0x4000, s31;
	s1 =	sadd.s32 s1, s30  }
0xbc: {  	s0 =	sor.u32 s3, s0;
	s1 =	sshll.u32 s1, $0x11  }
0xbd: {  	s0 =	sor.u32 s1, s0  }
0xbe: {  	s0 =	sadd.s32 $0x8F2B, s0  }
0xbf: {  	[sflag:s0] =	ssyncadd.remote.s32 $0x1  }
0xc0: {  	_ =	sfence.sel $0xFFFF  }
0xc1: {  	[dreg:$0x0] =	wrdreg $0xFFFFFFFF;
	(pc) =	sbr.abs _section_cstart, $3  }
0xc2: {  	[dreg:$0x1] =	wrdreg $0xFFFFFFFF  }
0xc3: {  	_ =	task.clear_ibuf [dreg:s7], $0x2FFFF;
	_ =	strace $0x9FFFFFFF  }
0xc4: {  	(tm) =	ssettm $0x7FFFFFFF  }
0xc5: {  	_ =	shalt  }
tec
execute0_lowered:
.L_overlay_start_1:
0x0: {  	(tag) =	ssettag $0x1  }
0x1: {  	s5 =	rddreg [dreg:$0x0]  }
0x2: {  	s10 =	rddreg [dreg:$0x1]  }
0x3: {  	s2 =	rddreg [dreg:$0x2]  }
0x4: {  	s3 =	rddreg [dreg:$0x3];
	s1 =	stileid.u32  }
0x5: {  	s4 =	srdreg.scid;
	s0 =	rddreg [dreg:$0x4];
	s16 =	simm.s32 $0x1  }
0x6: {  	s17 =	simm.s32 $0x80;
	s18 =	simm.s32 $0x4F00;
	s19 =	simm.s32 $0x3  }
0x7: {  	s21 =	simm.s32 $0x0;
	s6 =	sand.u32 $0x1, s4;
	s7 =	sshll.u32 s1, $0x1  }
0x8: {  	s4 =	simm.s32 $0x0;
	s11 =	smul.u32 $0x7680, s1;
	s20 =	sshll.u32 s1, $0x6  }
0x9: {  	s7 =	sor.u32 s6, s7;
	[smem:$0x7FF] =	sst s4;
	s30 =	smul.u32 $0x76800, s6  }
0xa: {  	s9 =	ssub.s32 $0x2, s6;
	s7 =	smul.u32 $0x4F0, s7;
	_ =	strace $0x80000047  }
0xb: {  	s8 =	sshrl.u32 s11, $0x3;
	s12 =	sshrl.u32 s9, $0x1;
	s13 =	sadd.s32 s11, s2  }
0xc: {  	s15 =	sadd.s32 s11, s3;
	s8 =	sadd.s32 s8, s5;
	s12 =	ssub.s32 s9, s12  }
0xd: {  	s14 =	sadd.s32 s11, s30;
	s9 =	sor.u32 $0x1C01, s20;
	s13 =	sshrl.u32 s13, $0x3  }
0xe: {  	s20 =	sor.u32 $0x1C03, s20;
	s7 =	sadd.s32 s7, s5;
	s5 =	sadd.s32 $0x23600, s5  }
0xf: {  	s8 =	sadd.s32 $0x14800, s8;
	s31 =	sshrl.u32 s14, $0x3;
	s11 =	smax.u32 s12, $0x1  }
0x10: {  	s12 =	simm.s32 $0x2780;
	s14 =	sshrl.u32 s15, $0x3;
	s15 =	simm.s32 $0x2  }
0x11: {  	s6 =	sadd.s32 $0xAA00, s7;
	s7 =	sadd.s32 $0xC00, s7;
	s10 =	sadd.s32 s10, s31  }
.LBB2_1:
0x12: {  	[tilespmem:s4], [sflag:$0x2] =	stream.linear.gather [hbm4b:s6+s4], $0x2780, $0x38;
	[tilespmem:$0x15400] =	vst v63  }
0x13: {  	_ = 	snop  }
0x14: {  	[tilespmem:s12], [sflag:$0x2] =	stream.linear.gather [hbm4b:s7+s4], $0x2780, $0x38;
	[tilespmem:$0x15400] =	vst v63  }
0x15: {  	[spmem:s13], [sflag:s9] =	dma.local [hbm:s8], $0xED0  }
0x16: {  	[spmem:s14], [sflag:s9] =	dma.local [hbm:s5], $0xED0  }
0x17: {  	_ =	swait.ge [sflag:s15], $0x2780  }
0x18: {  	[sflag:s15] =	ssyncset.done $0x0  }
0x19: {  	[sflag:s15] =	ssyncadd.s32 $0xFFFFD880  }
0x1a: {  	_ =	swait.ge [sflag:s15], $0x2780  }
0x1b: {  	[sflag:s15] =	ssyncset.done $0x0  }
0x1c: {  	[sflag:s15] =	ssyncadd.s32 $0xFFFFD880  }
0x1d: {  	_ =	swait.ge [sflag:s16], $0xED0  }
0x1e: {  	[sflag:s16] =	ssyncset.done $0x0  }
0x1f: {  	[sflag:s16] =	ssyncadd.s32 $0xFFFFF130  }
0x20: {  	_ =	swait.ge [sflag:s16], $0xED0  }
0x21: {  	[sflag:s16] =	ssyncset.done $0x0  }
0x22: {  	[sflag:s16] =	ssyncadd.s32 $0xFFFFF130  }
0x23: {  	s22 =	simm.s32 $0x0;
	[bflag:$0x0] =	sbarrier.arrive $0xFFFF  }
0x24: {  	[tilespmem:s18], [sflag:$0x1] =	stream.indirect.gather [spmem:s2], $0x30, s22, s17, $0xb8;
	[tilespmem:$0x15400] =	vst v63  }
0x25: {  	_ =	swait.ge [sflag:s16], $0x1800  }
0x26: {  	[sflag:s16] =	ssyncset.done $0x0  }
0x27: {  	s31 =	simm.s32 $0x2780;
	[sflag:s16] =	ssyncadd.s32 $0xFFFFE800  }
0x28: {  	[spmem:s3] =	stream.indirect.scatter.add.f32 [tilespmem:s18], [sflag:$0x3], $0x30, s31, s17, $0xb8;
	[tilespmem:$0x15400] =	vst v63  }
0x29: {  	_ =	swait.ge [sflag:s19], $0x1800  }
0x2a: {  	s23 =	simm.s32 $0x400;
	s22 =	simm.s32 $0x200;
	[sflag:s19] =	ssyncset.done $0x0  }
.LBB2_2:
0x2b: {  	s24 =	sshra.s32 s22, $0x2  }
0x2c: {  	[sflag:s19] =	ssyncadd.s32 $0xFFFFE800;
	s22 =	smov.u32 s23;
	s25 =	sadd.s32 $0x200, s23  }
0x2d: {  	[tilespmem:s18], [sflag:$0x1] =	stream.indirect.gather [spmem:s2], $0x30, s24, s17, $0xb8;
	[tilespmem:$0x15400] =	vst v63  }
0x2e: {  	p0 =	sne.s32 s23, $0x9C00;
	_ =	swait.ge [sflag:s16], $0x1800  }
.Ltmp0:
0x2f: {  	[sflag:s16] =	ssyncset.done $0x0;
	(pc) =	sbr.rel @p0 .LBB2_2-.Ltmp0, $4  }
0x30: {  	s23 =	sadd.s32 $0x2780, s24;
	[sflag:s16] =	ssyncadd.s32 $0xFFFFE800  }
0x31: {  	[spmem:s3] =	stream.indirect.scatter.add.f32 [tilespmem:s18], [sflag:$0x3], $0x30, s23, s17, $0xb8;
	[tilespmem:$0x15400] =	vst v63  }
0x32: {  	_ =	swait.ge [sflag:s19], $0x1800  }
0x33: {  	s23 =	smov.u32 s25;
	[sflag:s19] =	ssyncset.done $0x0  }
0x34: {  	s22 =	sshra.s32 s22, $0x2;
	[sflag:s19] =	ssyncadd.s32 $0xFFFFE800  }
0x35: {  	[tilespmem:s18], [sflag:$0x1] =	stream.indirect.gather [spmem:s2], $0x30, s22, s17, $0xb8;
	[tilespmem:$0x15400] =	vst v63  }
0x36: {  	_ =	swait.ge [sflag:s16], $0x1800  }
0x37: {  	[sflag:s16] =	ssyncset.done $0x0  }
0x38: {  	s22 =	sadd.s32 $0x2780, s22;
	[sflag:s16] =	ssyncadd.s32 $0xFFFFE800  }
0x39: {  	[spmem:s3] =	stream.indirect.scatter.add.f32 [tilespmem:s18], [sflag:$0x3], $0x30, s22, s17, $0xb8;
	[tilespmem:$0x15400] =	vst v63  }
0x3a: {  	_ =	swait.ge [sflag:s19], $0x1800  }
0x3b: {  	s21 =	sadd.s32 $0x1, s21;
	[sflag:s19] =	ssyncset.done $0x0  }
0x3c: {  	p0 =	sne.s32 s21, s11;
	[sflag:s19] =	ssyncadd.s32 $0xFFFFE800  }
.Ltmp1:
0x3d: {  	[bflag:$0x0] =	sbarrier.arrive $0xFFFF;
	(pc) =	sbr.rel @p0 .LBB2_1-.Ltmp1, $4  }
0x3e: {  	[hbm:s10], [sflag:s20] =	dma.local [spmem:s14], $0xED0  }
0x3f: {  	_ =	swait.ge [sflag:s19], $0xED0  }
0x40: {  	[sflag:s19] =	ssyncset.done $0x0  }
0x41: {  	[sflag:s19] =	ssyncadd.s32 $0xFFFFF130  }
0x42: {  	_ =	sfence.sel $0x180000  }
0x43: {  	[bflag:$0x0] =	sbarrier.arrive $0xFFFF  }
0x44: {  	p0 =	sne.s32 s1, $0x0;
	_ =	strace $0x90000047  }
0x45: {  	s0 =	sadd.s32 @!p0 $0x100000, s0;
	[bflag:$0x2] =	sbarrier.arrive $0xFFFF  }
0x46: {  	[sflag:s0] =	ssyncadd.tile.s32 @!p0 $0x1;
	_ =	shalt  }
.Lfunc_end2:
_tile_overlayer_lowered:
.L_overlay_start_2:
0x47: {  	(tag) =	ssettag $0x2  }
0x48: {  	s0 =	rddreg [dreg:$0x0];
	s2 =	stileid.u32  }
0x49: {  	s1 =	rddreg [dreg:$0x1];
	p0 =	sne.s32 s2, $0x0  }
0x4a: {  	s3 =	rddreg [dreg:$0x2];
	[bflag:$0x3] =	sbarrier.arrive $0xFFFF;
	s2 =	simm.s32 @!p0 $0x1C03  }
0x4b: {  	[timem:s3], [sflag:s2] =	dma.local @!p0 [hbm:s0], s1  }
0x4c: {  	s0 =	simm.s32 @!p0 $0x3  }
0x4d: {  	_ =	swait.ge @!p0 [sflag:s0], s1  }
0x4e: {  	s1 =	ssub.s32 @!p0 $0x0, s1;
	[sflag:s0] =	ssyncset.done @!p0 $0x0  }
0x4f: {  	[sflag:s0] =	ssyncadd.s32 @!p0 s1  }
0x50: {  	[bflag:$0x3] =	sbarrier.arrive $0xFFFF  }
0x51: {  	_ =	shalt  }

</sc_bundles>
